<compile_context>
chip_gen: v7x
topology: tpu7x:2x2x1
jax: 0.10.2.dev20260603
libtpu: 0.0.44.dev20260713+nightly
codegen_flags: <defaults>
</compile_context>

<pallas_src>
import functools

import jax
import jax.numpy as jnp
from jax import lax
from jax.experimental import pallas as pl
from jax.experimental.pallas import tpu as pltpu
from jax.experimental.pallas import tpu_sc as plsc

B = 1024
L = 50
D = 64
N_LABELS = 128
VOC = 100000

NUM_CORES = 2
NUM_SUBCORES = 16
NW = NUM_CORES * NUM_SUBCORES
DIMS_PER_W = D // NW
LANES = 16
NGROUP = B // LANES
GROUP_IDX = LANES * L
NPIECE = VOC // 128
TAIL = VOC - NPIECE * 128
NACC = 4

_mesh = plsc.VectorSubcoreMesh(core_axis_name="c", subcore_axis_name="s")


@functools.partial(
    pl.kernel,
    out_type=jax.ShapeDtypeStruct((D, B), jnp.float32),
    mesh=_mesh,
    scratch_types=[
        pltpu.VMEM((VOC,), jnp.float32),
        pltpu.VMEM((2, GROUP_IDX), jnp.int32),
        pltpu.VMEM((B,), jnp.float32),
        pltpu.SemaphoreType.DMA,
        pltpu.SemaphoreType.DMA,
    ],
    compiler_params=pltpu.CompilerParams(
        use_tc_tiling_on_sc=True, needs_layout_passes=False),
)
def _pool_sc(idx_hbm, vt_hbm, out_hbm, row_v, idx_v, x_v, sem_row, sem_idx):
    wid = lax.axis_index("s") * NUM_CORES + lax.axis_index("c")
    inv_len = jnp.float32(1.0 / L)

    for p in range(DIMS_PER_W):
        d = wid * DIMS_PER_W + p

        pltpu.async_copy(idx_hbm.at[0], idx_v.at[0], sem_idx)

        pltpu.async_copy(vt_hbm.at[d], row_v, sem_row).wait()

        def group_body(g, carry):
            buf = g % 2
            nxt = (g + 1) % 2

            @pl.when(g + 1 < NGROUP)
            def _():
                pltpu.async_copy(idx_hbm.at[g + 1], idx_v.at[nxt], sem_idx)

            pltpu.make_async_copy(
                idx_hbm.at[g], idx_v.at[buf], sem_idx).wait()

            accs = [jnp.zeros((LANES,), jnp.float32) for _ in range(NACC)]
            for t in range(L):
                idxv = idx_v[buf, pl.ds(t * LANES, LANES)]
                accs[t % NACC] = accs[t % NACC] + plsc.load_gather(
                    row_v, [idxv])
            acc = (accs[0] + accs[1]) + (accs[2] + accs[3])
            x_v[pl.ds(g * LANES, LANES)] = acc * inv_len
            return carry

        lax.fori_loop(0, NGROUP, group_body, 0)

        pltpu.sync_copy(x_v, out_hbm.at[d])


def _linear_body(xt_ref, wt_ref, b_ref, o_ref):
    o_ref[...] = (
        lax.dot_general(
            xt_ref[...], wt_ref[...], (((0,), (0,)), ((), ())),
            preferred_element_type=jnp.float32,
        )
        + b_ref[...]
    )


_linear_tc = pl.pallas_call(
    _linear_body,
    out_shape=jax.ShapeDtypeStruct((B, N_LABELS), jnp.float32),
)


def kernel(sentences, V, W, b):
    idx = (sentences.astype(jnp.int32)
           .reshape(NGROUP, LANES, L)
           .transpose(0, 2, 1)
           .reshape(NGROUP, GROUP_IDX))
    xt = _pool_sc(idx, V.T)
    return _linear_tc(xt, W.T, b.reshape(1, N_LABELS))

# --- scband reference (transcript-rebuilt; emitter-appended) ---
"""Pipeline reference for scband-net-56573309224519 (READ-ONLY COPY).

The authoritative reference and input builder live on the scoring server;
editing this copy changes nothing except your own understanding.
"""

import jax, jax.numpy as jnp
import numpy as np

VOC_SIZE = 100000
D = 64
N_LABELS = 128
B = 1024
L = 50


def setup_inputs(seed: int = 0) -> dict:
    key = jax.random.key(seed)
    k1, k2, k3, k4 = jax.random.split(key, 4)
    bound = 1.0 / np.sqrt(D)
    # sentences: batch of fixed-length token-id sequences (each row is one Sentence)
    sentences = jax.random.randint(k1, (B, L), 0, VOC_SIZE)
    # V: stacked per-token projection vectors v0..v{voc_size-1}, uniform(-1/sqrt(d), 1/sqrt(d))
    V = jax.random.uniform(k2, (VOC_SIZE, D), minval=-bound, maxval=bound, dtype=jnp.float32)
    # hidden Linear(d, n_labels): weight re-initialized uniform(-1/sqrt(d), 1/sqrt(d)); bias kept (default init)
    W = jax.random.uniform(k3, (N_LABELS, D), minval=-bound, maxval=bound, dtype=jnp.float32)
    b = jax.random.uniform(k4, (N_LABELS,), minval=-bound, maxval=bound, dtype=jnp.float32)
    return {"sentences": sentences, "V": V, "W": W, "b": b}


def reference(sentences, V, W, b):
    # embed(s) = (sum_t v_t) / len(s), with sentences truncated to 500 tokens
    s = sentences[:, :500]
    gathered = jnp.take(V, s, axis=0)            # [B, L, D] gather (embedding lookup)
    x = jnp.sum(gathered, axis=1) / s.shape[1]   # mean pooling over tokens
    # hidden linear layer
    out = x @ W.T + b                            # [B, n_labels]
    return out

if __name__ == "__main__":
    import jax
    _d = setup_inputs()
    print(jax.jit(kernel)(*tuple(_d.values())))

</pallas_src>

<mosaic_0001>
#map = affine_map<(d0, d1) -> (0, 0)>
module attributes {stable_mosaic.version = 14 : i64} {
  func.func @_pool_sc(%arg0: i32, %arg1: i32, %arg2: memref<64x800xi32, #tpu.memory_space<hbm>>, %arg3: memref<64x100000xf32, #tpu.memory_space<hbm>>, %arg4: memref<64x1024xf32, #tpu.memory_space<hbm>>, %arg5: memref<100000xf32, #tpu.memory_space<vmem>>, %arg6: memref<2x800xi32, #tpu.memory_space<vmem>>, %arg7: memref<1024xf32, #tpu.memory_space<vmem>>, %arg8: memref<!tpu.dma_semaphore, #tpu.memory_space<semaphore_mem>>, %arg9: memref<!tpu.dma_semaphore, #tpu.memory_space<semaphore_mem>>) attributes {dimension_semantics = [#tpu.dimension_semantics<core_parallel>, #tpu.dimension_semantics<subcore_parallel>], iteration_bounds = array<i64: 2, 16>, scalar_prefetch = 0 : i64, scratch_operands = 5 : i64, tpu.core_type = #tpu.core_type<sc_vector_subcore>, window_params = [{transform_indices = #map}, {transform_indices = #map}, {transform_indices = #map}]} {
    %mul3A = arith.constant 2 : i32
    %mul3A_0 = arith.muli %arg1, %mul3A : i32
    %add3A = arith.addi %mul3A_0, %arg0 : i32
    %mul3A_1 = arith.constant 2 : i32
    %mul3A_2 = arith.muli %add3A, %mul3A_1 : i32
    %add3A_3 = arith.constant 0 : i32
    %add3A_4 = arith.addi %mul3A_2, %add3A_3 : i32
    %dma_start3A = arith.constant 0 : i32
    %dma_start3A_5 = arith.constant 0 : i32
    %dma_start3A_6 = arith.constant 0 : i32
    %dma_start3A_7 = tpu.memref_slice %arg6[%dma_start3A_5, %dma_start3A_6] : memref<2x800xi32, #tpu.memory_space<vmem>> -> memref<1x800xi32, #tpu.memory_space<vmem>>
    %dma_start3A_8 = tpu.memref_squeeze %dma_start3A_7 : memref<1x800xi32, #tpu.memory_space<vmem>> -> memref<800xi32, #tpu.memory_space<vmem>>
    %dma_start3A_9 = arith.constant 0 : i32
    %dma_start3A_10 = tpu.memref_slice %arg2[%dma_start3A, %dma_start3A_9] : memref<64x800xi32, #tpu.memory_space<hbm>> -> memref<1x800xi32, #tpu.memory_space<hbm>>
    %dma_start3A_11 = tpu.memref_squeeze %dma_start3A_10 : memref<1x800xi32, #tpu.memory_space<hbm>> -> memref<800xi32, #tpu.memory_space<hbm>>
    %dma_start3A_12 = arith.constant 0 : i32
    %dma_start3A_13 = tpu.memref_slice %arg6[%dma_start3A_5, %dma_start3A_12] : memref<2x800xi32, #tpu.memory_space<vmem>> -> memref<1x800xi32, #tpu.memory_space<vmem>>
    %dma_start3A_14 = tpu.memref_squeeze %dma_start3A_13 : memref<1x800xi32, #tpu.memory_space<vmem>> -> memref<800xi32, #tpu.memory_space<vmem>>
    %dma_start3A_15 = arith.constant 0 : i32
    %dma_start3A_16 = tpu.memref_slice %arg2[%dma_start3A, %dma_start3A_15] : memref<64x800xi32, #tpu.memory_space<hbm>> -> memref<1x800xi32, #tpu.memory_space<hbm>>
    %dma_start3A_17 = tpu.memref_squeeze %dma_start3A_16 : memref<1x800xi32, #tpu.memory_space<hbm>> -> memref<800xi32, #tpu.memory_space<hbm>>
    tpu.enqueue_dma source(%dma_start3A_17 : memref<800xi32, #tpu.memory_space<hbm>>) target(%dma_start3A_14 : memref<800xi32, #tpu.memory_space<vmem>>) target_semaphore(%arg9 : memref<!tpu.dma_semaphore, #tpu.memory_space<semaphore_mem>>)
    %dma_start3A_18 = arith.constant 0 : i32
    %dma_start3A_19 = tpu.memref_slice %arg3[%add3A_4, %dma_start3A_18] : memref<64x100000xf32, #tpu.memory_space<hbm>> -> memref<1x100000xf32, #tpu.memory_space<hbm>>
    %dma_start3A_20 = tpu.memref_squeeze %dma_start3A_19 : memref<1x100000xf32, #tpu.memory_space<hbm>> -> memref<100000xf32, #tpu.memory_space<hbm>>
    %dma_start3A_21 = arith.constant 0 : i32
    %dma_start3A_22 = tpu.memref_slice %arg3[%add3A_4, %dma_start3A_21] : memref<64x100000xf32, #tpu.memory_space<hbm>> -> memref<1x100000xf32, #tpu.memory_space<hbm>>
    %dma_start3A_23 = tpu.memref_squeeze %dma_start3A_22 : memref<1x100000xf32, #tpu.memory_space<hbm>> -> memref<100000xf32, #tpu.memory_space<hbm>>
    tpu.enqueue_dma source(%dma_start3A_23 : memref<100000xf32, #tpu.memory_space<hbm>>) target(%arg5 : memref<100000xf32, #tpu.memory_space<vmem>>) target_semaphore(%arg8 : memref<!tpu.dma_semaphore, #tpu.memory_space<semaphore_mem>>)
    %dma_wait3A = arith.constant 0 : i32
    %dma_wait3A_24 = tpu.memref_slice %arg3[%add3A_4, %dma_wait3A] : memref<64x100000xf32, #tpu.memory_space<hbm>> -> memref<1x100000xf32, #tpu.memory_space<hbm>>
    %dma_wait3A_25 = tpu.memref_squeeze %dma_wait3A_24 : memref<1x100000xf32, #tpu.memory_space<hbm>> -> memref<100000xf32, #tpu.memory_space<hbm>>
    %dma_wait3A_26 = arith.constant 0 : i32
    %dma_wait3A_27 = tpu.memref_slice %arg3[%add3A_4, %dma_wait3A_26] : memref<64x100000xf32, #tpu.memory_space<hbm>> -> memref<1x100000xf32, #tpu.memory_space<hbm>>
    %dma_wait3A_28 = tpu.memref_squeeze %dma_wait3A_27 : memref<1x100000xf32, #tpu.memory_space<hbm>> -> memref<100000xf32, #tpu.memory_space<hbm>>
    tpu.wait_dma2 semaphore(%arg8 : memref<!tpu.dma_semaphore, #tpu.memory_space<semaphore_mem>>) src(%dma_wait3A_28 : memref<100000xf32, #tpu.memory_space<hbm>>) dst(%arg5 : memref<100000xf32, #tpu.memory_space<vmem>>)
    %scan3A = arith.constant 0 : i32
    %scan3A_29 = arith.constant 2.000000e-02 : f32
    %scan3A_30 = arith.constant 0 : i32
    %scan3A_31 = arith.constant 64 : i32
    %scan3A_32 = arith.addi %scan3A_30, %scan3A_31 : i32
    %scan3A_33 = arith.constant 1 : i32
    scf.for %scan3A_72 = %scan3A_30 to %scan3A_32 step %scan3A_33  : i32 {
      %jit3A = arith.constant 2 : i32
      %eq3A = arith.constant 0 : i32
      %eq3A_73 = arith.cmpi eq, %jit3A, %eq3A : i32
      %jit3A_74 = arith.constant 1 : i32
      %select_n3A = arith.select %eq3A_73, %jit3A_74, %jit3A : i32
      %rem3A = arith.remsi %scan3A_72, %select_n3A : i32
      %ne3A = arith.constant 0 : i32
      %ne3A_75 = arith.cmpi ne, %rem3A, %ne3A : i32
      %lt3A = arith.constant 0 : i32
      %lt3A_76 = arith.cmpi slt, %rem3A, %lt3A : i32
      %lt3A_77 = arith.constant 0 : i32
      %lt3A_78 = arith.cmpi slt, %select_n3A, %lt3A_77 : i32
      %ne3A_79 = arith.xori %lt3A_76, %lt3A_78 : i1
      %and3A = arith.andi %ne3A_79, %ne3A_75 : i1
      %add3A_80 = arith.addi %rem3A, %select_n3A : i32
      %select_n3A_81 = arith.select %and3A, %add3A_80, %rem3A : i32
      %add3A_82 = arith.constant 1 : i32
      %add3A_83 = arith.addi %scan3A_72, %add3A_82 : i32
      %jit3A_84 = arith.constant 2 : i32
      %eq3A_85 = arith.constant 0 : i32
      %eq3A_86 = arith.cmpi eq, %jit3A_84, %eq3A_85 : i32
      %jit3A_87 = arith.constant 1 : i32
      %select_n3A_88 = arith.select %eq3A_86, %jit3A_87, %jit3A_84 : i32
      %rem3A_89 = arith.remsi %add3A_83, %select_n3A_88 : i32
      %ne3A_90 = arith.constant 0 : i32
      %ne3A_91 = arith.cmpi ne, %rem3A_89, %ne3A_90 : i32
      %lt3A_92 = arith.constant 0 : i32
      %lt3A_93 = arith.cmpi slt, %rem3A_89, %lt3A_92 : i32
      %lt3A_94 = arith.constant 0 : i32
      %lt3A_95 = arith.cmpi slt, %select_n3A_88, %lt3A_94 : i32
      %ne3A_96 = arith.xori %lt3A_93, %lt3A_95 : i1
      %and3A_97 = arith.andi %ne3A_96, %ne3A_91 : i1
      %add3A_98 = arith.addi %rem3A_89, %select_n3A_88 : i32
      %select_n3A_99 = arith.select %and3A_97, %add3A_98, %rem3A_89 : i32
      %add3A_100 = arith.constant 1 : i32
      %add3A_101 = arith.addi %scan3A_72, %add3A_100 : i32
      %lt3A_102 = arith.constant 64 : i32
      %lt3A_103 = arith.cmpi slt, %add3A_101, %lt3A_102 : i32
      %convert_element_type3A = arith.extui %lt3A_103 : i1 to i32
      %cond3A = arith.constant 0 : i32
      %cond3A_104 = arith.cmpi ne, %convert_element_type3A, %cond3A : i32
      scf.if %cond3A_104 {
        %add3A_380 = arith.constant 1 : i32
        %add3A_381 = arith.addi %scan3A_72, %add3A_380 : i32
        %dma_start3A_382 = arith.constant 0 : i32
        %dma_start3A_383 = tpu.memref_slice %arg6[%select_n3A_99, %dma_start3A_382] : memref<2x800xi32, #tpu.memory_space<vmem>> -> memref<1x800xi32, #tpu.memory_space<vmem>>
        %dma_start3A_384 = tpu.memref_squeeze %dma_start3A_383 : memref<1x800xi32, #tpu.memory_space<vmem>> -> memref<800xi32, #tpu.memory_space<vmem>>
        %dma_start3A_385 = arith.constant 0 : i32
        %dma_start3A_386 = tpu.memref_slice %arg2[%add3A_381, %dma_start3A_385] : memref<64x800xi32, #tpu.memory_space<hbm>> -> memref<1x800xi32, #tpu.memory_space<hbm>>
        %dma_start3A_387 = tpu.memref_squeeze %dma_start3A_386 : memref<1x800xi32, #tpu.memory_space<hbm>> -> memref<800xi32, #tpu.memory_space<hbm>>
        %dma_start3A_388 = arith.constant 0 : i32
        %dma_start3A_389 = tpu.memref_slice %arg6[%select_n3A_99, %dma_start3A_388] : memref<2x800xi32, #tpu.memory_space<vmem>> -> memref<1x800xi32, #tpu.memory_space<vmem>>
        %dma_start3A_390 = tpu.memref_squeeze %dma_start3A_389 : memref<1x800xi32, #tpu.memory_space<vmem>> -> memref<800xi32, #tpu.memory_space<vmem>>
        %dma_start3A_391 = arith.constant 0 : i32
        %dma_start3A_392 = tpu.memref_slice %arg2[%add3A_381, %dma_start3A_391] : memref<64x800xi32, #tpu.memory_space<hbm>> -> memref<1x800xi32, #tpu.memory_space<hbm>>
        %dma_start3A_393 = tpu.memref_squeeze %dma_start3A_392 : memref<1x800xi32, #tpu.memory_space<hbm>> -> memref<800xi32, #tpu.memory_space<hbm>>
        tpu.enqueue_dma source(%dma_start3A_393 : memref<800xi32, #tpu.memory_space<hbm>>) target(%dma_start3A_390 : memref<800xi32, #tpu.memory_space<vmem>>) target_semaphore(%arg9 : memref<!tpu.dma_semaphore, #tpu.memory_space<semaphore_mem>>)
      } else {
      }
      %dma_wait3A_105 = arith.constant 0 : i32
      %dma_wait3A_106 = tpu.memref_slice %arg6[%select_n3A_81, %dma_wait3A_105] : memref<2x800xi32, #tpu.memory_space<vmem>> -> memref<1x800xi32, #tpu.memory_space<vmem>>
      %dma_wait3A_107 = tpu.memref_squeeze %dma_wait3A_106 : memref<1x800xi32, #tpu.memory_space<vmem>> -> memref<800xi32, #tpu.memory_space<vmem>>
      %dma_wait3A_108 = arith.constant 0 : i32
      %dma_wait3A_109 = tpu.memref_slice %arg2[%scan3A_72, %dma_wait3A_108] : memref<64x800xi32, #tpu.memory_space<hbm>> -> memref<1x800xi32, #tpu.memory_space<hbm>>
      %dma_wait3A_110 = tpu.memref_squeeze %dma_wait3A_109 : memref<1x800xi32, #tpu.memory_space<hbm>> -> memref<800xi32, #tpu.memory_space<hbm>>
      %dma_wait3A_111 = arith.constant 0 : i32
      %dma_wait3A_112 = tpu.memref_slice %arg6[%select_n3A_81, %dma_wait3A_111] : memref<2x800xi32, #tpu.memory_space<vmem>> -> memref<1x800xi32, #tpu.memory_space<vmem>>
      %dma_wait3A_113 = tpu.memref_squeeze %dma_wait3A_112 : memref<1x800xi32, #tpu.memory_space<vmem>> -> memref<800xi32, #tpu.memory_space<vmem>>
      %dma_wait3A_114 = arith.constant 0 : i32
      %dma_wait3A_115 = tpu.memref_slice %arg2[%scan3A_72, %dma_wait3A_114] : memref<64x800xi32, #tpu.memory_space<hbm>> -> memref<1x800xi32, #tpu.memory_space<hbm>>
      %dma_wait3A_116 = tpu.memref_squeeze %dma_wait3A_115 : memref<1x800xi32, #tpu.memory_space<hbm>> -> memref<800xi32, #tpu.memory_space<hbm>>
      tpu.wait_dma2 semaphore(%arg9 : memref<!tpu.dma_semaphore, #tpu.memory_space<semaphore_mem>>) src(%dma_wait3A_116 : memref<800xi32, #tpu.memory_space<hbm>>) dst(%dma_wait3A_113 : memref<800xi32, #tpu.memory_space<vmem>>)
      %broadcast_in_dim3A = arith.constant 0.000000e+00 : f32
      %broadcast_in_dim3A_117 = vector.broadcast %broadcast_in_dim3A : f32 to vector<16xf32>
      %broadcast_in_dim3A_118 = arith.constant 0.000000e+00 : f32
      %broadcast_in_dim3A_119 = vector.broadcast %broadcast_in_dim3A_118 : f32 to vector<16xf32>
      %broadcast_in_dim3A_120 = arith.constant 0.000000e+00 : f32
      %broadcast_in_dim3A_121 = vector.broadcast %broadcast_in_dim3A_120 : f32 to vector<16xf32>
      %broadcast_in_dim3A_122 = arith.constant 0.000000e+00 : f32
      %broadcast_in_dim3A_123 = vector.broadcast %broadcast_in_dim3A_122 : f32 to vector<16xf32>
      %get3A = arith.index_cast %select_n3A_81 : i32 to index
      %get3A_124 = arith.constant 0 : index
      %get3A_125 = tpu.vector_load %arg6[%get3A, %get3A_124] {strides = array<i32>} : memref<2x800xi32, #tpu.memory_space<vmem>>, vector<16xi32>,
      %gather3A = tpu.vector_load_idx %arg5[%get3A_125] : memref<100000xf32, #tpu.memory_space<vmem>>[vector<16xi32>], vector<16xf32>,
      %add3A_126 = arith.addf %broadcast_in_dim3A_117, %gather3A : vector<16xf32>
      %get3A_127 = arith.index_cast %select_n3A_81 : i32 to index
      %get3A_128 = arith.constant 16 : index
      %get3A_129 = tpu.vector_load %arg6[%get3A_127, %get3A_128] {strides = array<i32>} : memref<2x800xi32, #tpu.memory_space<vmem>>, vector<16xi32>,
      %gather3A_130 = tpu.vector_load_idx %arg5[%get3A_129] : memref<100000xf32, #tpu.memory_space<vmem>>[vector<16xi32>], vector<16xf32>,
      %add3A_131 = arith.addf %broadcast_in_dim3A_119, %gather3A_130 : vector<16xf32>
      %get3A_132 = arith.index_cast %select_n3A_81 : i32 to index
      %get3A_133 = arith.constant 32 : index
      %get3A_134 = tpu.vector_load %arg6[%get3A_132, %get3A_133] {strides = array<i32>} : memref<2x800xi32, #tpu.memory_space<vmem>>, vector<16xi32>,
      %gather3A_135 = tpu.vector_load_idx %arg5[%get3A_134] : memref<100000xf32, #tpu.memory_space<vmem>>[vector<16xi32>], vector<16xf32>,
      %add3A_136 = arith.addf %broadcast_in_dim3A_121, %gather3A_135 : vector<16xf32>
      %get3A_137 = arith.index_cast %select_n3A_81 : i32 to index
      %get3A_138 = arith.constant 48 : index
      %get3A_139 = tpu.vector_load %arg6[%get3A_137, %get3A_138] {strides = array<i32>} : memref<2x800xi32, #tpu.memory_space<vmem>>, vector<16xi32>,
      %gather3A_140 = tpu.vector_load_idx %arg5[%get3A_139] : memref<100000xf32, #tpu.memory_space<vmem>>[vector<16xi32>], vector<16xf32>,
      %add3A_141 = arith.addf %broadcast_in_dim3A_123, %gather3A_140 : vector<16xf32>
      %get3A_142 = arith.index_cast %select_n3A_81 : i32 to index
      %get3A_143 = arith.constant 64 : index
      %get3A_144 = tpu.vector_load %arg6[%get3A_142, %get3A_143] {strides = array<i32>} : memref<2x800xi32, #tpu.memory_space<vmem>>, vector<16xi32>,
      %gather3A_145 = tpu.vector_load_idx %arg5[%get3A_144] : memref<100000xf32, #tpu.memory_space<vmem>>[vector<16xi32>], vector<16xf32>,
      %add3A_146 = arith.addf %add3A_126, %gather3A_145 : vector<16xf32>
      %get3A_147 = arith.index_cast %select_n3A_81 : i32 to index
      %get3A_148 = arith.constant 80 : index
      %get3A_149 = tpu.vector_load %arg6[%get3A_147, %get3A_148] {strides = array<i32>} : memref<2x800xi32, #tpu.memory_space<vmem>>, vector<16xi32>,
      %gather3A_150 = tpu.vector_load_idx %arg5[%get3A_149] : memref<100000xf32, #tpu.memory_space<vmem>>[vector<16xi32>], vector<16xf32>,
      %add3A_151 = arith.addf %add3A_131, %gather3A_150 : vector<16xf32>
      %get3A_152 = arith.index_cast %select_n3A_81 : i32 to index
      %get3A_153 = arith.constant 96 : index
      %get3A_154 = tpu.vector_load %arg6[%get3A_152, %get3A_153] {strides = array<i32>} : memref<2x800xi32, #tpu.memory_space<vmem>>, vector<16xi32>,
      %gather3A_155 = tpu.vector_load_idx %arg5[%get3A_154] : memref<100000xf32, #tpu.memory_space<vmem>>[vector<16xi32>], vector<16xf32>,
      %add3A_156 = arith.addf %add3A_136, %gather3A_155 : vector<16xf32>
      %get3A_157 = arith.index_cast %select_n3A_81 : i32 to index
      %get3A_158 = arith.constant 112 : index
      %get3A_159 = tpu.vector_load %arg6[%get3A_157, %get3A_158] {strides = array<i32>} : memref<2x800xi32, #tpu.memory_space<vmem>>, vector<16xi32>,
      %gather3A_160 = tpu.vector_load_idx %arg5[%get3A_159] : memref<100000xf32, #tpu.memory_space<vmem>>[vector<16xi32>], vector<16xf32>,
      %add3A_161 = arith.addf %add3A_141, %gather3A_160 : vector<16xf32>
      %get3A_162 = arith.index_cast %select_n3A_81 : i32 to index
      %get3A_163 = arith.constant 128 : index
      %get3A_164 = tpu.vector_load %arg6[%get3A_162, %get3A_163] {strides = array<i32>} : memref<2x800xi32, #tpu.memory_space<vmem>>, vector<16xi32>,
      %gather3A_165 = tpu.vector_load_idx %arg5[%get3A_164] : memref<100000xf32, #tpu.memory_space<vmem>>[vector<16xi32>], vector<16xf32>,
      %add3A_166 = arith.addf %add3A_146, %gather3A_165 : vector<16xf32>
      %get3A_167 = arith.index_cast %select_n3A_81 : i32 to index
      %get3A_168 = arith.constant 144 : index
      %get3A_169 = tpu.vector_load %arg6[%get3A_167, %get3A_168] {strides = array<i32>} : memref<2x800xi32, #tpu.memory_space<vmem>>, vector<16xi32>,
      %gather3A_170 = tpu.vector_load_idx %arg5[%get3A_169] : memref<100000xf32, #tpu.memory_space<vmem>>[vector<16xi32>], vector<16xf32>,
      %add3A_171 = arith.addf %add3A_151, %gather3A_170 : vector<16xf32>
      %get3A_172 = arith.index_cast %select_n3A_81 : i32 to index
      %get3A_173 = arith.constant 160 : index
      %get3A_174 = tpu.vector_load %arg6[%get3A_172, %get3A_173] {strides = array<i32>} : memref<2x800xi32, #tpu.memory_space<vmem>>, vector<16xi32>,
      %gather3A_175 = tpu.vector_load_idx %arg5[%get3A_174] : memref<100000xf32, #tpu.memory_space<vmem>>[vector<16xi32>], vector<16xf32>,
      %add3A_176 = arith.addf %add3A_156, %gather3A_175 : vector<16xf32>
      %get3A_177 = arith.index_cast %select_n3A_81 : i32 to index
      %get3A_178 = arith.constant 176 : index
      %get3A_179 = tpu.vector_load %arg6[%get3A_177, %get3A_178] {strides = array<i32>} : memref<2x800xi32, #tpu.memory_space<vmem>>, vector<16xi32>,
      %gather3A_180 = tpu.vector_load_idx %arg5[%get3A_179] : memref<100000xf32, #tpu.memory_space<vmem>>[vector<16xi32>], vector<16xf32>,
      %add3A_181 = arith.addf %add3A_161, %gather3A_180 : vector<16xf32>
      %get3A_182 = arith.index_cast %select_n3A_81 : i32 to index
      %get3A_183 = arith.constant 192 : index
      %get3A_184 = tpu.vector_load %arg6[%get3A_182, %get3A_183] {strides = array<i32>} : memref<2x800xi32, #tpu.memory_space<vmem>>, vector<16xi32>,
      %gather3A_185 = tpu.vector_load_idx %arg5[%get3A_184] : memref<100000xf32, #tpu.memory_space<vmem>>[vector<16xi32>], vector<16xf32>,
      %add3A_186 = arith.addf %add3A_166, %gather3A_185 : vector<16xf32>
      %get3A_187 = arith.index_cast %select_n3A_81 : i32 to index
      %get3A_188 = arith.constant 208 : index
      %get3A_189 = tpu.vector_load %arg6[%get3A_187, %get3A_188] {strides = array<i32>} : memref<2x800xi32, #tpu.memory_space<vmem>>, vector<16xi32>,
      %gather3A_190 = tpu.vector_load_idx %arg5[%get3A_189] : memref<100000xf32, #tpu.memory_space<vmem>>[vector<16xi32>], vector<16xf32>,
      %add3A_191 = arith.addf %add3A_171, %gather3A_190 : vector<16xf32>
      %get3A_192 = arith.index_cast %select_n3A_81 : i32 to index
      %get3A_193 = arith.constant 224 : index
      %get3A_194 = tpu.vector_load %arg6[%get3A_192, %get3A_193] {strides = array<i32>} : memref<2x800xi32, #tpu.memory_space<vmem>>, vector<16xi32>,
      %gather3A_195 = tpu.vector_load_idx %arg5[%get3A_194] : memref<100000xf32, #tpu.memory_space<vmem>>[vector<16xi32>], vector<16xf32>,
      %add3A_196 = arith.addf %add3A_176, %gather3A_195 : vector<16xf32>
      %get3A_197 = arith.index_cast %select_n3A_81 : i32 to index
      %get3A_198 = arith.constant 240 : index
      %get3A_199 = tpu.vector_load %arg6[%get3A_197, %get3A_198] {strides = array<i32>} : memref<2x800xi32, #tpu.memory_space<vmem>>, vector<16xi32>,
      %gather3A_200 = tpu.vector_load_idx %arg5[%get3A_199] : memref<100000xf32, #tpu.memory_space<vmem>>[vector<16xi32>], vector<16xf32>,
      %add3A_201 = arith.addf %add3A_181, %gather3A_200 : vector<16xf32>
      %get3A_202 = arith.index_cast %select_n3A_81 : i32 to index
      %get3A_203 = arith.constant 256 : index
      %get3A_204 = tpu.vector_load %arg6[%get3A_202, %get3A_203] {strides = array<i32>} : memref<2x800xi32, #tpu.memory_space<vmem>>, vector<16xi32>,
      %gather3A_205 = tpu.vector_load_idx %arg5[%get3A_204] : memref<100000xf32, #tpu.memory_space<vmem>>[vector<16xi32>], vector<16xf32>,
      %add3A_206 = arith.addf %add3A_186, %gather3A_205 : vector<16xf32>
      %get3A_207 = arith.index_cast %select_n3A_81 : i32 to index
      %get3A_208 = arith.constant 272 : index
      %get3A_209 = tpu.vector_load %arg6[%get3A_207, %get3A_208] {strides = array<i32>} : memref<2x800xi32, #tpu.memory_space<vmem>>, vector<16xi32>,
      %gather3A_210 = tpu.vector_load_idx %arg5[%get3A_209] : memref<100000xf32, #tpu.memory_space<vmem>>[vector<16xi32>], vector<16xf32>,
      %add3A_211 = arith.addf %add3A_191, %gather3A_210 : vector<16xf32>
      %get3A_212 = arith.index_cast %select_n3A_81 : i32 to index
      %get3A_213 = arith.constant 288 : index
      %get3A_214 = tpu.vector_load %arg6[%get3A_212, %get3A_213] {strides = array<i32>} : memref<2x800xi32, #tpu.memory_space<vmem>>, vector<16xi32>,
      %gather3A_215 = tpu.vector_load_idx %arg5[%get3A_214] : memref<100000xf32, #tpu.memory_space<vmem>>[vector<16xi32>], vector<16xf32>,
      %add3A_216 = arith.addf %add3A_196, %gather3A_215 : vector<16xf32>
      %get3A_217 = arith.index_cast %select_n3A_81 : i32 to index
      %get3A_218 = arith.constant 304 : index
      %get3A_219 = tpu.vector_load %arg6[%get3A_217, %get3A_218] {strides = array<i32>} : memref<2x800xi32, #tpu.memory_space<vmem>>, vector<16xi32>,
      %gather3A_220 = tpu.vector_load_idx %arg5[%get3A_219] : memref<100000xf32, #tpu.memory_space<vmem>>[vector<16xi32>], vector<16xf32>,
      %add3A_221 = arith.addf %add3A_201, %gather3A_220 : vector<16xf32>
      %get3A_222 = arith.index_cast %select_n3A_81 : i32 to index
      %get3A_223 = arith.constant 320 : index
      %get3A_224 = tpu.vector_load %arg6[%get3A_222, %get3A_223] {strides = array<i32>} : memref<2x800xi32, #tpu.memory_space<vmem>>, vector<16xi32>,
      %gather3A_225 = tpu.vector_load_idx %arg5[%get3A_224] : memref<100000xf32, #tpu.memory_space<vmem>>[vector<16xi32>], vector<16xf32>,
      %add3A_226 = arith.addf %add3A_206, %gather3A_225 : vector<16xf32>
      %get3A_227 = arith.index_cast %select_n3A_81 : i32 to index
      %get3A_228 = arith.constant 336 : index
      %get3A_229 = tpu.vector_load %arg6[%get3A_227, %get3A_228] {strides = array<i32>} : memref<2x800xi32, #tpu.memory_space<vmem>>, vector<16xi32>,
      %gather3A_230 = tpu.vector_load_idx %arg5[%get3A_229] : memref<100000xf32, #tpu.memory_space<vmem>>[vector<16xi32>], vector<16xf32>,
      %add3A_231 = arith.addf %add3A_211, %gather3A_230 : vector<16xf32>
      %get3A_232 = arith.index_cast %select_n3A_81 : i32 to index
      %get3A_233 = arith.constant 352 : index
      %get3A_234 = tpu.vector_load %arg6[%get3A_232, %get3A_233] {strides = array<i32>} : memref<2x800xi32, #tpu.memory_space<vmem>>, vector<16xi32>,
      %gather3A_235 = tpu.vector_load_idx %arg5[%get3A_234] : memref<100000xf32, #tpu.memory_space<vmem>>[vector<16xi32>], vector<16xf32>,
      %add3A_236 = arith.addf %add3A_216, %gather3A_235 : vector<16xf32>
      %get3A_237 = arith.index_cast %select_n3A_81 : i32 to index
      %get3A_238 = arith.constant 368 : index
      %get3A_239 = tpu.vector_load %arg6[%get3A_237, %get3A_238] {strides = array<i32>} : memref<2x800xi32, #tpu.memory_space<vmem>>, vector<16xi32>,
      %gather3A_240 = tpu.vector_load_idx %arg5[%get3A_239] : memref<100000xf32, #tpu.memory_space<vmem>>[vector<16xi32>], vector<16xf32>,
      %add3A_241 = arith.addf %add3A_221, %gather3A_240 : vector<16xf32>
      %get3A_242 = arith.index_cast %select_n3A_81 : i32 to index
      %get3A_243 = arith.constant 384 : index
      %get3A_244 = tpu.vector_load %arg6[%get3A_242, %get3A_243] {strides = array<i32>} : memref<2x800xi32, #tpu.memory_space<vmem>>, vector<16xi32>,
      %gather3A_245 = tpu.vector_load_idx %arg5[%get3A_244] : memref<100000xf32, #tpu.memory_space<vmem>>[vector<16xi32>], vector<16xf32>,
      %add3A_246 = arith.addf %add3A_226, %gather3A_245 : vector<16xf32>
      %get3A_247 = arith.index_cast %select_n3A_81 : i32 to index
      %get3A_248 = arith.constant 400 : index
      %get3A_249 = tpu.vector_load %arg6[%get3A_247, %get3A_248] {strides = array<i32>} : memref<2x800xi32, #tpu.memory_space<vmem>>, vector<16xi32>,
      %gather3A_250 = tpu.vector_load_idx %arg5[%get3A_249] : memref<100000xf32, #tpu.memory_space<vmem>>[vector<16xi32>], vector<16xf32>,
      %add3A_251 = arith.addf %add3A_231, %gather3A_250 : vector<16xf32>
      %get3A_252 = arith.index_cast %select_n3A_81 : i32 to index
      %get3A_253 = arith.constant 416 : index
      %get3A_254 = tpu.vector_load %arg6[%get3A_252, %get3A_253] {strides = array<i32>} : memref<2x800xi32, #tpu.memory_space<vmem>>, vector<16xi32>,
      %gather3A_255 = tpu.vector_load_idx %arg5[%get3A_254] : memref<100000xf32, #tpu.memory_space<vmem>>[vector<16xi32>], vector<16xf32>,
      %add3A_256 = arith.addf %add3A_236, %gather3A_255 : vector<16xf32>
      %get3A_257 = arith.index_cast %select_n3A_81 : i32 to index
      %get3A_258 = arith.constant 432 : index
      %get3A_259 = tpu.vector_load %arg6[%get3A_257, %get3A_258] {strides = array<i32>} : memref<2x800xi32, #tpu.memory_space<vmem>>, vector<16xi32>,
      %gather3A_260 = tpu.vector_load_idx %arg5[%get3A_259] : memref<100000xf32, #tpu.memory_space<vmem>>[vector<16xi32>], vector<16xf32>,
      %add3A_261 = arith.addf %add3A_241, %gather3A_260 : vector<16xf32>
      %get3A_262 = arith.index_cast %select_n3A_81 : i32 to index
      %get3A_263 = arith.constant 448 : index
      %get3A_264 = tpu.vector_load %arg6[%get3A_262, %get3A_263] {strides = array<i32>} : memref<2x800xi32, #tpu.memory_space<vmem>>, vector<16xi32>,
      %gather3A_265 = tpu.vector_load_idx %arg5[%get3A_264] : memref<100000xf32, #tpu.memory_space<vmem>>[vector<16xi32>], vector<16xf32>,
      %add3A_266 = arith.addf %add3A_246, %gather3A_265 : vector<16xf32>
      %get3A_267 = arith.index_cast %select_n3A_81 : i32 to index
      %get3A_268 = arith.constant 464 : index
      %get3A_269 = tpu.vector_load %arg6[%get3A_267, %get3A_268] {strides = array<i32>} : memref<2x800xi32, #tpu.memory_space<vmem>>, vector<16xi32>,
      %gather3A_270 = tpu.vector_load_idx %arg5[%get3A_269] : memref<100000xf32, #tpu.memory_space<vmem>>[vector<16xi32>], vector<16xf32>,
      %add3A_271 = arith.addf %add3A_251, %gather3A_270 : vector<16xf32>
      %get3A_272 = arith.index_cast %select_n3A_81 : i32 to index
      %get3A_273 = arith.constant 480 : index
      %get3A_274 = tpu.vector_load %arg6[%get3A_272, %get3A_273] {strides = array<i32>} : memref<2x800xi32, #tpu.memory_space<vmem>>, vector<16xi32>,
      %gather3A_275 = tpu.vector_load_idx %arg5[%get3A_274] : memref<100000xf32, #tpu.memory_space<vmem>>[vector<16xi32>], vector<16xf32>,
      %add3A_276 = arith.addf %add3A_256, %gather3A_275 : vector<16xf32>
      %get3A_277 = arith.index_cast %select_n3A_81 : i32 to index
      %get3A_278 = arith.constant 496 : index
      %get3A_279 = tpu.vector_load %arg6[%get3A_277, %get3A_278] {strides = array<i32>} : memref<2x800xi32, #tpu.memory_space<vmem>>, vector<16xi32>,
      %gather3A_280 = tpu.vector_load_idx %arg5[%get3A_279] : memref<100000xf32, #tpu.memory_space<vmem>>[vector<16xi32>], vector<16xf32>,
      %add3A_281 = arith.addf %add3A_261, %gather3A_280 : vector<16xf32>
      %get3A_282 = arith.index_cast %select_n3A_81 : i32 to index
      %get3A_283 = arith.constant 512 : index
      %get3A_284 = tpu.vector_load %arg6[%get3A_282, %get3A_283] {strides = array<i32>} : memref<2x800xi32, #tpu.memory_space<vmem>>, vector<16xi32>,
      %gather3A_285 = tpu.vector_load_idx %arg5[%get3A_284] : memref<100000xf32, #tpu.memory_space<vmem>>[vector<16xi32>], vector<16xf32>,
      %add3A_286 = arith.addf %add3A_266, %gather3A_285 : vector<16xf32>
      %get3A_287 = arith.index_cast %select_n3A_81 : i32 to index
      %get3A_288 = arith.constant 528 : index
      %get3A_289 = tpu.vector_load %arg6[%get3A_287, %get3A_288] {strides = array<i32>} : memref<2x800xi32, #tpu.memory_space<vmem>>, vector<16xi32>,
      %gather3A_290 = tpu.vector_load_idx %arg5[%get3A_289] : memref<100000xf32, #tpu.memory_space<vmem>>[vector<16xi32>], vector<16xf32>,
      %add3A_291 = arith.addf %add3A_271, %gather3A_290 : vector<16xf32>
      %get3A_292 = arith.index_cast %select_n3A_81 : i32 to index
      %get3A_293 = arith.constant 544 : index
      %get3A_294 = tpu.vector_load %arg6[%get3A_292, %get3A_293] {strides = array<i32>} : memref<2x800xi32, #tpu.memory_space<vmem>>, vector<16xi32>,
      %gather3A_295 = tpu.vector_load_idx %arg5[%get3A_294] : memref<100000xf32, #tpu.memory_space<vmem>>[vector<16xi32>], vector<16xf32>,
      %add3A_296 = arith.addf %add3A_276, %gather3A_295 : vector<16xf32>
      %get3A_297 = arith.index_cast %select_n3A_81 : i32 to index
      %get3A_298 = arith.constant 560 : index
      %get3A_299 = tpu.vector_load %arg6[%get3A_297, %get3A_298] {strides = array<i32>} : memref<2x800xi32, #tpu.memory_space<vmem>>, vector<16xi32>,
      %gather3A_300 = tpu.vector_load_idx %arg5[%get3A_299] : memref<100000xf32, #tpu.memory_space<vmem>>[vector<16xi32>], vector<16xf32>,
      %add3A_301 = arith.addf %add3A_281, %gather3A_300 : vector<16xf32>
      %get3A_302 = arith.index_cast %select_n3A_81 : i32 to index
      %get3A_303 = arith.constant 576 : index
      %get3A_304 = tpu.vector_load %arg6[%get3A_302, %get3A_303] {strides = array<i32>} : memref<2x800xi32, #tpu.memory_space<vmem>>, vector<16xi32>,
      %gather3A_305 = tpu.vector_load_idx %arg5[%get3A_304] : memref<100000xf32, #tpu.memory_space<vmem>>[vector<16xi32>], vector<16xf32>,
      %add3A_306 = arith.addf %add3A_286, %gather3A_305 : vector<16xf32>
      %get3A_307 = arith.index_cast %select_n3A_81 : i32 to index
      %get3A_308 = arith.constant 592 : index
      %get3A_309 = tpu.vector_load %arg6[%get3A_307, %get3A_308] {strides = array<i32>} : memref<2x800xi32, #tpu.memory_space<vmem>>, vector<16xi32>,
      %gather3A_310 = tpu.vector_load_idx %arg5[%get3A_309] : memref<100000xf32, #tpu.memory_space<vmem>>[vector<16xi32>], vector<16xf32>,
      %add3A_311 = arith.addf %add3A_291, %gather3A_310 : vector<16xf32>
      %get3A_312 = arith.index_cast %select_n3A_81 : i32 to index
      %get3A_313 = arith.constant 608 : index
      %get3A_314 = tpu.vector_load %arg6[%get3A_312, %get3A_313] {strides = array<i32>} : memref<2x800xi32, #tpu.memory_space<vmem>>, vector<16xi32>,
      %gather3A_315 = tpu.vector_load_idx %arg5[%get3A_314] : memref<100000xf32, #tpu.memory_space<vmem>>[vector<16xi32>], vector<16xf32>,
      %add3A_316 = arith.addf %add3A_296, %gather3A_315 : vector<16xf32>
      %get3A_317 = arith.index_cast %select_n3A_81 : i32 to index
      %get3A_318 = arith.constant 624 : index
      %get3A_319 = tpu.vector_load %arg6[%get3A_317, %get3A_318] {strides = array<i32>} : memref<2x800xi32, #tpu.memory_space<vmem>>, vector<16xi32>,
      %gather3A_320 = tpu.vector_load_idx %arg5[%get3A_319] : memref<100000xf32, #tpu.memory_space<vmem>>[vector<16xi32>], vector<16xf32>,
      %add3A_321 = arith.addf %add3A_301, %gather3A_320 : vector<16xf32>
      %get3A_322 = arith.index_cast %select_n3A_81 : i32 to index
      %get3A_323 = arith.constant 640 : index
      %get3A_324 = tpu.vector_load %arg6[%get3A_322, %get3A_323] {strides = array<i32>} : memref<2x800xi32, #tpu.memory_space<vmem>>, vector<16xi32>,
      %gather3A_325 = tpu.vector_load_idx %arg5[%get3A_324] : memref<100000xf32, #tpu.memory_space<vmem>>[vector<16xi32>], vector<16xf32>,
      %add3A_326 = arith.addf %add3A_306, %gather3A_325 : vector<16xf32>
      %get3A_327 = arith.index_cast %select_n3A_81 : i32 to index
      %get3A_328 = arith.constant 656 : index
      %get3A_329 = tpu.vector_load %arg6[%get3A_327, %get3A_328] {strides = array<i32>} : memref<2x800xi32, #tpu.memory_space<vmem>>, vector<16xi32>,
      %gather3A_330 = tpu.vector_load_idx %arg5[%get3A_329] : memref<100000xf32, #tpu.memory_space<vmem>>[vector<16xi32>], vector<16xf32>,
      %add3A_331 = arith.addf %add3A_311, %gather3A_330 : vector<16xf32>
      %get3A_332 = arith.index_cast %select_n3A_81 : i32 to index
      %get3A_333 = arith.constant 672 : index
      %get3A_334 = tpu.vector_load %arg6[%get3A_332, %get3A_333] {strides = array<i32>} : memref<2x800xi32, #tpu.memory_space<vmem>>, vector<16xi32>,
      %gather3A_335 = tpu.vector_load_idx %arg5[%get3A_334] : memref<100000xf32, #tpu.memory_space<vmem>>[vector<16xi32>], vector<16xf32>,
      %add3A_336 = arith.addf %add3A_316, %gather3A_335 : vector<16xf32>
      %get3A_337 = arith.index_cast %select_n3A_81 : i32 to index
      %get3A_338 = arith.constant 688 : index
      %get3A_339 = tpu.vector_load %arg6[%get3A_337, %get3A_338] {strides = array<i32>} : memref<2x800xi32, #tpu.memory_space<vmem>>, vector<16xi32>,
      %gather3A_340 = tpu.vector_load_idx %arg5[%get3A_339] : memref<100000xf32, #tpu.memory_space<vmem>>[vector<16xi32>], vector<16xf32>,
      %add3A_341 = arith.addf %add3A_321, %gather3A_340 : vector<16xf32>
      %get3A_342 = arith.index_cast %select_n3A_81 : i32 to index
      %get3A_343 = arith.constant 704 : index
      %get3A_344 = tpu.vector_load %arg6[%get3A_342, %get3A_343] {strides = array<i32>} : memref<2x800xi32, #tpu.memory_space<vmem>>, vector<16xi32>,
      %gather3A_345 = tpu.vector_load_idx %arg5[%get3A_344] : memref<100000xf32, #tpu.memory_space<vmem>>[vector<16xi32>], vector<16xf32>,
      %add3A_346 = arith.addf %add3A_326, %gather3A_345 : vector<16xf32>
      %get3A_347 = arith.index_cast %select_n3A_81 : i32 to index
      %get3A_348 = arith.constant 720 : index
      %get3A_349 = tpu.vector_load %arg6[%get3A_347, %get3A_348] {strides = array<i32>} : memref<2x800xi32, #tpu.memory_space<vmem>>, vector<16xi32>,
      %gather3A_350 = tpu.vector_load_idx %arg5[%get3A_349] : memref<100000xf32, #tpu.memory_space<vmem>>[vector<16xi32>], vector<16xf32>,
      %add3A_351 = arith.addf %add3A_331, %gather3A_350 : vector<16xf32>
      %get3A_352 = arith.index_cast %select_n3A_81 : i32 to index
      %get3A_353 = arith.constant 736 : index
      %get3A_354 = tpu.vector_load %arg6[%get3A_352, %get3A_353] {strides = array<i32>} : memref<2x800xi32, #tpu.memory_space<vmem>>, vector<16xi32>,
      %gather3A_355 = tpu.vector_load_idx %arg5[%get3A_354] : memref<100000xf32, #tpu.memory_space<vmem>>[vector<16xi32>], vector<16xf32>,
      %add3A_356 = arith.addf %add3A_336, %gather3A_355 : vector<16xf32>
      %get3A_357 = arith.index_cast %select_n3A_81 : i32 to index
      %get3A_358 = arith.constant 752 : index
      %get3A_359 = tpu.vector_load %arg6[%get3A_357, %get3A_358] {strides = array<i32>} : memref<2x800xi32, #tpu.memory_space<vmem>>, vector<16xi32>,
      %gather3A_360 = tpu.vector_load_idx %arg5[%get3A_359] : memref<100000xf32, #tpu.memory_space<vmem>>[vector<16xi32>], vector<16xf32>,
      %add3A_361 = arith.addf %add3A_341, %gather3A_360 : vector<16xf32>
      %get3A_362 = arith.index_cast %select_n3A_81 : i32 to index
      %get3A_363 = arith.constant 768 : index
      %get3A_364 = tpu.vector_load %arg6[%get3A_362, %get3A_363] {strides = array<i32>} : memref<2x800xi32, #tpu.memory_space<vmem>>, vector<16xi32>,
      %gather3A_365 = tpu.vector_load_idx %arg5[%get3A_364] : memref<100000xf32, #tpu.memory_space<vmem>>[vector<16xi32>], vector<16xf32>,
      %add3A_366 = arith.addf %add3A_346, %gather3A_365 : vector<16xf32>
      %get3A_367 = arith.index_cast %select_n3A_81 : i32 to index
      %get3A_368 = arith.constant 784 : index
      %get3A_369 = tpu.vector_load %arg6[%get3A_367, %get3A_368] {strides = array<i32>} : memref<2x800xi32, #tpu.memory_space<vmem>>, vector<16xi32>,
      %gather3A_370 = tpu.vector_load_idx %arg5[%get3A_369] : memref<100000xf32, #tpu.memory_space<vmem>>[vector<16xi32>], vector<16xf32>,
      %add3A_371 = arith.addf %add3A_351, %gather3A_370 : vector<16xf32>
      %add3A_372 = arith.addf %add3A_366, %add3A_371 : vector<16xf32>
      %add3A_373 = arith.addf %add3A_356, %add3A_361 : vector<16xf32>
      %add3A_374 = arith.addf %add3A_372, %add3A_373 : vector<16xf32>
      %mul3A_375 = vector.broadcast %scan3A_29 : f32 to vector<16xf32>
      %mul3A_376 = arith.mulf %add3A_374, %mul3A_375 : vector<16xf32>
      %mul3A_377 = arith.constant 16 : i32
      %mul3A_378 = arith.muli %scan3A_72, %mul3A_377 : i32
      %swap3A = arith.index_cast %mul3A_378 : i32 to index
      %swap3A_379 = tpu.vector_load %arg7[%swap3A] {strides = array<i32>} : memref<1024xf32, #tpu.memory_space<vmem>>, vector<16xf32>,
      tpu.vector_store %arg7[%swap3A], %mul3A_376 {strides = array<i32>} : memref<1024xf32, #tpu.memory_space<vmem>>, vector<16xf32>,
    }
    %scan3A_34 = arith.constant 64 : i32
    "tpu.region"() ({
      %run_scoped3A = tpu.sem_alloc : memref<!tpu.dma_semaphore, #tpu.memory_space<semaphore_mem>>
      %dma_start3A_72 = arith.constant 0 : i32
      %dma_start3A_73 = tpu.memref_slice %arg4[%add3A_4, %dma_start3A_72] : memref<64x1024xf32, #tpu.memory_space<hbm>> -> memref<1x1024xf32, #tpu.memory_space<hbm>>
      %dma_start3A_74 = tpu.memref_squeeze %dma_start3A_73 : memref<1x1024xf32, #tpu.memory_space<hbm>> -> memref<1024xf32, #tpu.memory_space<hbm>>
      %dma_start3A_75 = arith.constant 0 : i32
      %dma_start3A_76 = tpu.memref_slice %arg4[%add3A_4, %dma_start3A_75] : memref<64x1024xf32, #tpu.memory_space<hbm>> -> memref<1x1024xf32, #tpu.memory_space<hbm>>
      %dma_start3A_77 = tpu.memref_squeeze %dma_start3A_76 : memref<1x1024xf32, #tpu.memory_space<hbm>> -> memref<1024xf32, #tpu.memory_space<hbm>>
      tpu.enqueue_dma source(%arg7 : memref<1024xf32, #tpu.memory_space<vmem>>) target(%dma_start3A_77 : memref<1024xf32, #tpu.memory_space<hbm>>) target_semaphore(%run_scoped3A : memref<!tpu.dma_semaphore, #tpu.memory_space<semaphore_mem>>)
      %dma_wait3A_78 = arith.constant 0 : i32
      %dma_wait3A_79 = tpu.memref_slice %arg4[%add3A_4, %dma_wait3A_78] : memref<64x1024xf32, #tpu.memory_space<hbm>> -> memref<1x1024xf32, #tpu.memory_space<hbm>>
      %dma_wait3A_80 = tpu.memref_squeeze %dma_wait3A_79 : memref<1x1024xf32, #tpu.memory_space<hbm>> -> memref<1024xf32, #tpu.memory_space<hbm>>
      %dma_wait3A_81 = arith.constant 0 : i32
      %dma_wait3A_82 = tpu.memref_slice %arg4[%add3A_4, %dma_wait3A_81] : memref<64x1024xf32, #tpu.memory_space<hbm>> -> memref<1x1024xf32, #tpu.memory_space<hbm>>
      %dma_wait3A_83 = tpu.memref_squeeze %dma_wait3A_82 : memref<1x1024xf32, #tpu.memory_space<hbm>> -> memref<1024xf32, #tpu.memory_space<hbm>>
      tpu.wait_dma2 semaphore(%run_scoped3A : memref<!tpu.dma_semaphore, #tpu.memory_space<semaphore_mem>>) src(%arg7 : memref<1024xf32, #tpu.memory_space<vmem>>) dst(%dma_wait3A_83 : memref<1024xf32, #tpu.memory_space<hbm>>)
      tpu.yield
    }) : () -> ()
    %mul3A_35 = arith.constant 2 : i32
    %mul3A_36 = arith.muli %add3A, %mul3A_35 : i32
    %add3A_37 = arith.constant 1 : i32
    %add3A_38 = arith.addi %mul3A_36, %add3A_37 : i32
    %dma_start3A_39 = arith.constant 0 : i32
    %dma_start3A_40 = arith.constant 0 : i32
    %dma_start3A_41 = arith.constant 0 : i32
    %dma_start3A_42 = tpu.memref_slice %arg6[%dma_start3A_40, %dma_start3A_41] : memref<2x800xi32, #tpu.memory_space<vmem>> -> memref<1x800xi32, #tpu.memory_space<vmem>>
    %dma_start3A_43 = tpu.memref_squeeze %dma_start3A_42 : memref<1x800xi32, #tpu.memory_space<vmem>> -> memref<800xi32, #tpu.memory_space<vmem>>
    %dma_start3A_44 = arith.constant 0 : i32
    %dma_start3A_45 = tpu.memref_slice %arg2[%dma_start3A_39, %dma_start3A_44] : memref<64x800xi32, #tpu.memory_space<hbm>> -> memref<1x800xi32, #tpu.memory_space<hbm>>
    %dma_start3A_46 = tpu.memref_squeeze %dma_start3A_45 : memref<1x800xi32, #tpu.memory_space<hbm>> -> memref<800xi32, #tpu.memory_space<hbm>>
    %dma_start3A_47 = arith.constant 0 : i32
    %dma_start3A_48 = tpu.memref_slice %arg6[%dma_start3A_40, %dma_start3A_47] : memref<2x800xi32, #tpu.memory_space<vmem>> -> memref<1x800xi32, #tpu.memory_space<vmem>>
    %dma_start3A_49 = tpu.memref_squeeze %dma_start3A_48 : memref<1x800xi32, #tpu.memory_space<vmem>> -> memref<800xi32, #tpu.memory_space<vmem>>
    %dma_start3A_50 = arith.constant 0 : i32
    %dma_start3A_51 = tpu.memref_slice %arg2[%dma_start3A_39, %dma_start3A_50] : memref<64x800xi32, #tpu.memory_space<hbm>> -> memref<1x800xi32, #tpu.memory_space<hbm>>
    %dma_start3A_52 = tpu.memref_squeeze %dma_start3A_51 : memref<1x800xi32, #tpu.memory_space<hbm>> -> memref<800xi32, #tpu.memory_space<hbm>>
    tpu.enqueue_dma source(%dma_start3A_52 : memref<800xi32, #tpu.memory_space<hbm>>) target(%dma_start3A_49 : memref<800xi32, #tpu.memory_space<vmem>>) target_semaphore(%arg9 : memref<!tpu.dma_semaphore, #tpu.memory_space<semaphore_mem>>)
    %dma_start3A_53 = arith.constant 0 : i32
    %dma_start3A_54 = tpu.memref_slice %arg3[%add3A_38, %dma_start3A_53] : memref<64x100000xf32, #tpu.memory_space<hbm>> -> memref<1x100000xf32, #tpu.memory_space<hbm>>
    %dma_start3A_55 = tpu.memref_squeeze %dma_start3A_54 : memref<1x100000xf32, #tpu.memory_space<hbm>> -> memref<100000xf32, #tpu.memory_space<hbm>>
    %dma_start3A_56 = arith.constant 0 : i32
    %dma_start3A_57 = tpu.memref_slice %arg3[%add3A_38, %dma_start3A_56] : memref<64x100000xf32, #tpu.memory_space<hbm>> -> memref<1x100000xf32, #tpu.memory_space<hbm>>
    %dma_start3A_58 = tpu.memref_squeeze %dma_start3A_57 : memref<1x100000xf32, #tpu.memory_space<hbm>> -> memref<100000xf32, #tpu.memory_space<hbm>>
    tpu.enqueue_dma source(%dma_start3A_58 : memref<100000xf32, #tpu.memory_space<hbm>>) target(%arg5 : memref<100000xf32, #tpu.memory_space<vmem>>) target_semaphore(%arg8 : memref<!tpu.dma_semaphore, #tpu.memory_space<semaphore_mem>>)
    %dma_wait3A_59 = arith.constant 0 : i32
    %dma_wait3A_60 = tpu.memref_slice %arg3[%add3A_38, %dma_wait3A_59] : memref<64x100000xf32, #tpu.memory_space<hbm>> -> memref<1x100000xf32, #tpu.memory_space<hbm>>
    %dma_wait3A_61 = tpu.memref_squeeze %dma_wait3A_60 : memref<1x100000xf32, #tpu.memory_space<hbm>> -> memref<100000xf32, #tpu.memory_space<hbm>>
    %dma_wait3A_62 = arith.constant 0 : i32
    %dma_wait3A_63 = tpu.memref_slice %arg3[%add3A_38, %dma_wait3A_62] : memref<64x100000xf32, #tpu.memory_space<hbm>> -> memref<1x100000xf32, #tpu.memory_space<hbm>>
    %dma_wait3A_64 = tpu.memref_squeeze %dma_wait3A_63 : memref<1x100000xf32, #tpu.memory_space<hbm>> -> memref<100000xf32, #tpu.memory_space<hbm>>
    tpu.wait_dma2 semaphore(%arg8 : memref<!tpu.dma_semaphore, #tpu.memory_space<semaphore_mem>>) src(%dma_wait3A_64 : memref<100000xf32, #tpu.memory_space<hbm>>) dst(%arg5 : memref<100000xf32, #tpu.memory_space<vmem>>)
    %scan3A_65 = arith.constant 0 : i32
    %scan3A_66 = arith.constant 2.000000e-02 : f32
    %scan3A_67 = arith.constant 0 : i32
    %scan3A_68 = arith.constant 64 : i32
    %scan3A_69 = arith.addi %scan3A_67, %scan3A_68 : i32
    %scan3A_70 = arith.constant 1 : i32
    scf.for %scan3A_72 = %scan3A_67 to %scan3A_69 step %scan3A_70  : i32 {
      %jit3A = arith.constant 2 : i32
      %eq3A = arith.constant 0 : i32
      %eq3A_73 = arith.cmpi eq, %jit3A, %eq3A : i32
      %jit3A_74 = arith.constant 1 : i32
      %select_n3A = arith.select %eq3A_73, %jit3A_74, %jit3A : i32
      %rem3A = arith.remsi %scan3A_72, %select_n3A : i32
      %ne3A = arith.constant 0 : i32
      %ne3A_75 = arith.cmpi ne, %rem3A, %ne3A : i32
      %lt3A = arith.constant 0 : i32
      %lt3A_76 = arith.cmpi slt, %rem3A, %lt3A : i32
      %lt3A_77 = arith.constant 0 : i32
      %lt3A_78 = arith.cmpi slt, %select_n3A, %lt3A_77 : i32
      %ne3A_79 = arith.xori %lt3A_76, %lt3A_78 : i1
      %and3A = arith.andi %ne3A_79, %ne3A_75 : i1
      %add3A_80 = arith.addi %rem3A, %select_n3A : i32
      %select_n3A_81 = arith.select %and3A, %add3A_80, %rem3A : i32
      %add3A_82 = arith.constant 1 : i32
      %add3A_83 = arith.addi %scan3A_72, %add3A_82 : i32
      %jit3A_84 = arith.constant 2 : i32
      %eq3A_85 = arith.constant 0 : i32
      %eq3A_86 = arith.cmpi eq, %jit3A_84, %eq3A_85 : i32
      %jit3A_87 = arith.constant 1 : i32
      %select_n3A_88 = arith.select %eq3A_86, %jit3A_87, %jit3A_84 : i32
      %rem3A_89 = arith.remsi %add3A_83, %select_n3A_88 : i32
      %ne3A_90 = arith.constant 0 : i32
      %ne3A_91 = arith.cmpi ne, %rem3A_89, %ne3A_90 : i32
      %lt3A_92 = arith.constant 0 : i32
      %lt3A_93 = arith.cmpi slt, %rem3A_89, %lt3A_92 : i32
      %lt3A_94 = arith.constant 0 : i32
      %lt3A_95 = arith.cmpi slt, %select_n3A_88, %lt3A_94 : i32
      %ne3A_96 = arith.xori %lt3A_93, %lt3A_95 : i1
      %and3A_97 = arith.andi %ne3A_96, %ne3A_91 : i1
      %add3A_98 = arith.addi %rem3A_89, %select_n3A_88 : i32
      %select_n3A_99 = arith.select %and3A_97, %add3A_98, %rem3A_89 : i32
      %add3A_100 = arith.constant 1 : i32
      %add3A_101 = arith.addi %scan3A_72, %add3A_100 : i32
      %lt3A_102 = arith.constant 64 : i32
      %lt3A_103 = arith.cmpi slt, %add3A_101, %lt3A_102 : i32
      %convert_element_type3A = arith.extui %lt3A_103 : i1 to i32
      %cond3A = arith.constant 0 : i32
      %cond3A_104 = arith.cmpi ne, %convert_element_type3A, %cond3A : i32
      scf.if %cond3A_104 {
        %add3A_380 = arith.constant 1 : i32
        %add3A_381 = arith.addi %scan3A_72, %add3A_380 : i32
        %dma_start3A_382 = arith.constant 0 : i32
        %dma_start3A_383 = tpu.memref_slice %arg6[%select_n3A_99, %dma_start3A_382] : memref<2x800xi32, #tpu.memory_space<vmem>> -> memref<1x800xi32, #tpu.memory_space<vmem>>
        %dma_start3A_384 = tpu.memref_squeeze %dma_start3A_383 : memref<1x800xi32, #tpu.memory_space<vmem>> -> memref<800xi32, #tpu.memory_space<vmem>>
        %dma_start3A_385 = arith.constant 0 : i32
        %dma_start3A_386 = tpu.memref_slice %arg2[%add3A_381, %dma_start3A_385] : memref<64x800xi32, #tpu.memory_space<hbm>> -> memref<1x800xi32, #tpu.memory_space<hbm>>
        %dma_start3A_387 = tpu.memref_squeeze %dma_start3A_386 : memref<1x800xi32, #tpu.memory_space<hbm>> -> memref<800xi32, #tpu.memory_space<hbm>>
        %dma_start3A_388 = arith.constant 0 : i32
        %dma_start3A_389 = tpu.memref_slice %arg6[%select_n3A_99, %dma_start3A_388] : memref<2x800xi32, #tpu.memory_space<vmem>> -> memref<1x800xi32, #tpu.memory_space<vmem>>
        %dma_start3A_390 = tpu.memref_squeeze %dma_start3A_389 : memref<1x800xi32, #tpu.memory_space<vmem>> -> memref<800xi32, #tpu.memory_space<vmem>>
        %dma_start3A_391 = arith.constant 0 : i32
        %dma_start3A_392 = tpu.memref_slice %arg2[%add3A_381, %dma_start3A_391] : memref<64x800xi32, #tpu.memory_space<hbm>> -> memref<1x800xi32, #tpu.memory_space<hbm>>
        %dma_start3A_393 = tpu.memref_squeeze %dma_start3A_392 : memref<1x800xi32, #tpu.memory_space<hbm>> -> memref<800xi32, #tpu.memory_space<hbm>>
        tpu.enqueue_dma source(%dma_start3A_393 : memref<800xi32, #tpu.memory_space<hbm>>) target(%dma_start3A_390 : memref<800xi32, #tpu.memory_space<vmem>>) target_semaphore(%arg9 : memref<!tpu.dma_semaphore, #tpu.memory_space<semaphore_mem>>)
      } else {
      }
      %dma_wait3A_105 = arith.constant 0 : i32
      %dma_wait3A_106 = tpu.memref_slice %arg6[%select_n3A_81, %dma_wait3A_105] : memref<2x800xi32, #tpu.memory_space<vmem>> -> memref<1x800xi32, #tpu.memory_space<vmem>>
      %dma_wait3A_107 = tpu.memref_squeeze %dma_wait3A_106 : memref<1x800xi32, #tpu.memory_space<vmem>> -> memref<800xi32, #tpu.memory_space<vmem>>
      %dma_wait3A_108 = arith.constant 0 : i32
      %dma_wait3A_109 = tpu.memref_slice %arg2[%scan3A_72, %dma_wait3A_108] : memref<64x800xi32, #tpu.memory_space<hbm>> -> memref<1x800xi32, #tpu.memory_space<hbm>>
      %dma_wait3A_110 = tpu.memref_squeeze %dma_wait3A_109 : memref<1x800xi32, #tpu.memory_space<hbm>> -> memref<800xi32, #tpu.memory_space<hbm>>
      %dma_wait3A_111 = arith.constant 0 : i32
      %dma_wait3A_112 = tpu.memref_slice %arg6[%select_n3A_81, %dma_wait3A_111] : memref<2x800xi32, #tpu.memory_space<vmem>> -> memref<1x800xi32, #tpu.memory_space<vmem>>
      %dma_wait3A_113 = tpu.memref_squeeze %dma_wait3A_112 : memref<1x800xi32, #tpu.memory_space<vmem>> -> memref<800xi32, #tpu.memory_space<vmem>>
      %dma_wait3A_114 = arith.constant 0 : i32
      %dma_wait3A_115 = tpu.memref_slice %arg2[%scan3A_72, %dma_wait3A_114] : memref<64x800xi32, #tpu.memory_space<hbm>> -> memref<1x800xi32, #tpu.memory_space<hbm>>
      %dma_wait3A_116 = tpu.memref_squeeze %dma_wait3A_115 : memref<1x800xi32, #tpu.memory_space<hbm>> -> memref<800xi32, #tpu.memory_space<hbm>>
      tpu.wait_dma2 semaphore(%arg9 : memref<!tpu.dma_semaphore, #tpu.memory_space<semaphore_mem>>) src(%dma_wait3A_116 : memref<800xi32, #tpu.memory_space<hbm>>) dst(%dma_wait3A_113 : memref<800xi32, #tpu.memory_space<vmem>>)
      %broadcast_in_dim3A = arith.constant 0.000000e+00 : f32
      %broadcast_in_dim3A_117 = vector.broadcast %broadcast_in_dim3A : f32 to vector<16xf32>
      %broadcast_in_dim3A_118 = arith.constant 0.000000e+00 : f32
      %broadcast_in_dim3A_119 = vector.broadcast %broadcast_in_dim3A_118 : f32 to vector<16xf32>
      %broadcast_in_dim3A_120 = arith.constant 0.000000e+00 : f32
      %broadcast_in_dim3A_121 = vector.broadcast %broadcast_in_dim3A_120 : f32 to vector<16xf32>
      %broadcast_in_dim3A_122 = arith.constant 0.000000e+00 : f32
      %broadcast_in_dim3A_123 = vector.broadcast %broadcast_in_dim3A_122 : f32 to vector<16xf32>
      %get3A = arith.index_cast %select_n3A_81 : i32 to index
      %get3A_124 = arith.constant 0 : index
      %get3A_125 = tpu.vector_load %arg6[%get3A, %get3A_124] {strides = array<i32>} : memref<2x800xi32, #tpu.memory_space<vmem>>, vector<16xi32>,
      %gather3A = tpu.vector_load_idx %arg5[%get3A_125] : memref<100000xf32, #tpu.memory_space<vmem>>[vector<16xi32>], vector<16xf32>,
      %add3A_126 = arith.addf %broadcast_in_dim3A_117, %gather3A : vector<16xf32>
      %get3A_127 = arith.index_cast %select_n3A_81 : i32 to index
      %get3A_128 = arith.constant 16 : index
      %get3A_129 = tpu.vector_load %arg6[%get3A_127, %get3A_128] {strides = array<i32>} : memref<2x800xi32, #tpu.memory_space<vmem>>, vector<16xi32>,
      %gather3A_130 = tpu.vector_load_idx %arg5[%get3A_129] : memref<100000xf32, #tpu.memory_space<vmem>>[vector<16xi32>], vector<16xf32>,
      %add3A_131 = arith.addf %broadcast_in_dim3A_119, %gather3A_130 : vector<16xf32>
      %get3A_132 = arith.index_cast %select_n3A_81 : i32 to index
      %get3A_133 = arith.constant 32 : index
      %get3A_134 = tpu.vector_load %arg6[%get3A_132, %get3A_133] {strides = array<i32>} : memref<2x800xi32, #tpu.memory_space<vmem>>, vector<16xi32>,
      %gather3A_135 = tpu.vector_load_idx %arg5[%get3A_134] : memref<100000xf32, #tpu.memory_space<vmem>>[vector<16xi32>], vector<16xf32>,
      %add3A_136 = arith.addf %broadcast_in_dim3A_121, %gather3A_135 : vector<16xf32>
      %get3A_137 = arith.index_cast %select_n3A_81 : i32 to index
      %get3A_138 = arith.constant 48 : index
      %get3A_139 = tpu.vector_load %arg6[%get3A_137, %get3A_138] {strides = array<i32>} : memref<2x800xi32, #tpu.memory_space<vmem>>, vector<16xi32>,
      %gather3A_140 = tpu.vector_load_idx %arg5[%get3A_139] : memref<100000xf32, #tpu.memory_space<vmem>>[vector<16xi32>], vector<16xf32>,
      %add3A_141 = arith.addf %broadcast_in_dim3A_123, %gather3A_140 : vector<16xf32>
      %get3A_142 = arith.index_cast %select_n3A_81 : i32 to index
      %get3A_143 = arith.constant 64 : index
      %get3A_144 = tpu.vector_load %arg6[%get3A_142, %get3A_143] {strides = array<i32>} : memref<2x800xi32, #tpu.memory_space<vmem>>, vector<16xi32>,
      %gather3A_145 = tpu.vector_load_idx %arg5[%get3A_144] : memref<100000xf32, #tpu.memory_space<vmem>>[vector<16xi32>], vector<16xf32>,
      %add3A_146 = arith.addf %add3A_126, %gather3A_145 : vector<16xf32>
      %get3A_147 = arith.index_cast %select_n3A_81 : i32 to index
      %get3A_148 = arith.constant 80 : index
      %get3A_149 = tpu.vector_load %arg6[%get3A_147, %get3A_148] {strides = array<i32>} : memref<2x800xi32, #tpu.memory_space<vmem>>, vector<16xi32>,
      %gather3A_150 = tpu.vector_load_idx %arg5[%get3A_149] : memref<100000xf32, #tpu.memory_space<vmem>>[vector<16xi32>], vector<16xf32>,
      %add3A_151 = arith.addf %add3A_131, %gather3A_150 : vector<16xf32>
      %get3A_152 = arith.index_cast %select_n3A_81 : i32 to index
      %get3A_153 = arith.constant 96 : index
      %get3A_154 = tpu.vector_load %arg6[%get3A_152, %get3A_153] {strides = array<i32>} : memref<2x800xi32, #tpu.memory_space<vmem>>, vector<16xi32>,
      %gather3A_155 = tpu.vector_load_idx %arg5[%get3A_154] : memref<100000xf32, #tpu.memory_space<vmem>>[vector<16xi32>], vector<16xf32>,
      %add3A_156 = arith.addf %add3A_136, %gather3A_155 : vector<16xf32>
      %get3A_157 = arith.index_cast %select_n3A_81 : i32 to index
      %get3A_158 = arith.constant 112 : index
      %get3A_159 = tpu.vector_load %arg6[%get3A_157, %get3A_158] {strides = array<i32>} : memref<2x800xi32, #tpu.memory_space<vmem>>, vector<16xi32>,
      %gather3A_160 = tpu.vector_load_idx %arg5[%get3A_159] : memref<100000xf32, #tpu.memory_space<vmem>>[vector<16xi32>], vector<16xf32>,
      %add3A_161 = arith.addf %add3A_141, %gather3A_160 : vector<16xf32>
      %get3A_162 = arith.index_cast %select_n3A_81 : i32 to index
      %get3A_163 = arith.constant 128 : index
      %get3A_164 = tpu.vector_load %arg6[%get3A_162, %get3A_163] {strides = array<i32>} : memref<2x800xi32, #tpu.memory_space<vmem>>, vector<16xi32>,
      %gather3A_165 = tpu.vector_load_idx %arg5[%get3A_164] : memref<100000xf32, #tpu.memory_space<vmem>>[vector<16xi32>], vector<16xf32>,
      %add3A_166 = arith.addf %add3A_146, %gather3A_165 : vector<16xf32>
      %get3A_167 = arith.index_cast %select_n3A_81 : i32 to index
      %get3A_168 = arith.constant 144 : index
      %get3A_169 = tpu.vector_load %arg6[%get3A_167, %get3A_168] {strides = array<i32>} : memref<2x800xi32, #tpu.memory_space<vmem>>, vector<16xi32>,
      %gather3A_170 = tpu.vector_load_idx %arg5[%get3A_169] : memref<100000xf32, #tpu.memory_space<vmem>>[vector<16xi32>], vector<16xf32>,
      %add3A_171 = arith.addf %add3A_151, %gather3A_170 : vector<16xf32>
      %get3A_172 = arith.index_cast %select_n3A_81 : i32 to index
      %get3A_173 = arith.constant 160 : index
      %get3A_174 = tpu.vector_load %arg6[%get3A_172, %get3A_173] {strides = array<i32>} : memref<2x800xi32, #tpu.memory_space<vmem>>, vector<16xi32>,
      %gather3A_175 = tpu.vector_load_idx %arg5[%get3A_174] : memref<100000xf32, #tpu.memory_space<vmem>>[vector<16xi32>], vector<16xf32>,
      %add3A_176 = arith.addf %add3A_156, %gather3A_175 : vector<16xf32>
      %get3A_177 = arith.index_cast %select_n3A_81 : i32 to index
      %get3A_178 = arith.constant 176 : index
      %get3A_179 = tpu.vector_load %arg6[%get3A_177, %get3A_178] {strides = array<i32>} : memref<2x800xi32, #tpu.memory_space<vmem>>, vector<16xi32>,
      %gather3A_180 = tpu.vector_load_idx %arg5[%get3A_179] : memref<100000xf32, #tpu.memory_space<vmem>>[vector<16xi32>], vector<16xf32>,
      %add3A_181 = arith.addf %add3A_161, %gather3A_180 : vector<16xf32>
      %get3A_182 = arith.index_cast %select_n3A_81 : i32 to index
      %get3A_183 = arith.constant 192 : index
      %get3A_184 = tpu.vector_load %arg6[%get3A_182, %get3A_183] {strides = array<i32>} : memref<2x800xi32, #tpu.memory_space<vmem>>, vector<16xi32>,
      %gather3A_185 = tpu.vector_load_idx %arg5[%get3A_184] : memref<100000xf32, #tpu.memory_space<vmem>>[vector<16xi32>], vector<16xf32>,
      %add3A_186 = arith.addf %add3A_166, %gather3A_185 : vector<16xf32>
      %get3A_187 = arith.index_cast %select_n3A_81 : i32 to index
      %get3A_188 = arith.constant 208 : index
      %get3A_189 = tpu.vector_load %arg6[%get3A_187, %get3A_188] {strides = array<i32>} : memref<2x800xi32, #tpu.memory_space<vmem>>, vector<16xi32>,
      %gather3A_190 = tpu.vector_load_idx %arg5[%get3A_189] : memref<100000xf32, #tpu.memory_space<vmem>>[vector<16xi32>], vector<16xf32>,
      %add3A_191 = arith.addf %add3A_171, %gather3A_190 : vector<16xf32>
      %get3A_192 = arith.index_cast %select_n3A_81 : i32 to index
      %get3A_193 = arith.constant 224 : index
      %get3A_194 = tpu.vector_load %arg6[%get3A_192, %get3A_193] {strides = array<i32>} : memref<2x800xi32, #tpu.memory_space<vmem>>, vector<16xi32>,
      %gather3A_195 = tpu.vector_load_idx %arg5[%get3A_194] : memref<100000xf32, #tpu.memory_space<vmem>>[vector<16xi32>], vector<16xf32>,
      %add3A_196 = arith.addf %add3A_176, %gather3A_195 : vector<16xf32>
      %get3A_197 = arith.index_cast %select_n3A_81 : i32 to index
      %get3A_198 = arith.constant 240 : index
      %get3A_199 = tpu.vector_load %arg6[%get3A_197, %get3A_198] {strides = array<i32>} : memref<2x800xi32, #tpu.memory_space<vmem>>, vector<16xi32>,
      %gather3A_200 = tpu.vector_load_idx %arg5[%get3A_199] : memref<100000xf32, #tpu.memory_space<vmem>>[vector<16xi32>], vector<16xf32>,
      %add3A_201 = arith.addf %add3A_181, %gather3A_200 : vector<16xf32>
      %get3A_202 = arith.index_cast %select_n3A_81 : i32 to index
      %get3A_203 = arith.constant 256 : index
      %get3A_204 = tpu.vector_load %arg6[%get3A_202, %get3A_203] {strides = array<i32>} : memref<2x800xi32, #tpu.memory_space<vmem>>, vector<16xi32>,
      %gather3A_205 = tpu.vector_load_idx %arg5[%get3A_204] : memref<100000xf32, #tpu.memory_space<vmem>>[vector<16xi32>], vector<16xf32>,
      %add3A_206 = arith.addf %add3A_186, %gather3A_205 : vector<16xf32>
      %get3A_207 = arith.index_cast %select_n3A_81 : i32 to index
      %get3A_208 = arith.constant 272 : index
      %get3A_209 = tpu.vector_load %arg6[%get3A_207, %get3A_208] {strides = array<i32>} : memref<2x800xi32, #tpu.memory_space<vmem>>, vector<16xi32>,
      %gather3A_210 = tpu.vector_load_idx %arg5[%get3A_209] : memref<100000xf32, #tpu.memory_space<vmem>>[vector<16xi32>], vector<16xf32>,
      %add3A_211 = arith.addf %add3A_191, %gather3A_210 : vector<16xf32>
      %get3A_212 = arith.index_cast %select_n3A_81 : i32 to index
      %get3A_213 = arith.constant 288 : index
      %get3A_214 = tpu.vector_load %arg6[%get3A_212, %get3A_213] {strides = array<i32>} : memref<2x800xi32, #tpu.memory_space<vmem>>, vector<16xi32>,
      %gather3A_215 = tpu.vector_load_idx %arg5[%get3A_214] : memref<100000xf32, #tpu.memory_space<vmem>>[vector<16xi32>], vector<16xf32>,
      %add3A_216 = arith.addf %add3A_196, %gather3A_215 : vector<16xf32>
      %get3A_217 = arith.index_cast %select_n3A_81 : i32 to index
      %get3A_218 = arith.constant 304 : index
      %get3A_219 = tpu.vector_load %arg6[%get3A_217, %get3A_218] {strides = array<i32>} : memref<2x800xi32, #tpu.memory_space<vmem>>, vector<16xi32>,
      %gather3A_220 = tpu.vector_load_idx %arg5[%get3A_219] : memref<100000xf32, #tpu.memory_space<vmem>>[vector<16xi32>], vector<16xf32>,
      %add3A_221 = arith.addf %add3A_201, %gather3A_220 : vector<16xf32>
      %get3A_222 = arith.index_cast %select_n3A_81 : i32 to index
      %get3A_223 = arith.constant 320 : index
      %get3A_224 = tpu.vector_load %arg6[%get3A_222, %get3A_223] {strides = array<i32>} : memref<2x800xi32, #tpu.memory_space<vmem>>, vector<16xi32>,
      %gather3A_225 = tpu.vector_load_idx %arg5[%get3A_224] : memref<100000xf32, #tpu.memory_space<vmem>>[vector<16xi32>], vector<16xf32>,
      %add3A_226 = arith.addf %add3A_206, %gather3A_225 : vector<16xf32>
      %get3A_227 = arith.index_cast %select_n3A_81 : i32 to index
      %get3A_228 = arith.constant 336 : index
      %get3A_229 = tpu.vector_load %arg6[%get3A_227, %get3A_228] {strides = array<i32>} : memref<2x800xi32, #tpu.memory_space<vmem>>, vector<16xi32>,
      %gather3A_230 = tpu.vector_load_idx %arg5[%get3A_229] : memref<100000xf32, #tpu.memory_space<vmem>>[vector<16xi32>], vector<16xf32>,
      %add3A_231 = arith.addf %add3A_211, %gather3A_230 : vector<16xf32>
      %get3A_232 = arith.index_cast %select_n3A_81 : i32 to index
      %get3A_233 = arith.constant 352 : index
      %get3A_234 = tpu.vector_load %arg6[%get3A_232, %get3A_233] {strides = array<i32>} : memref<2x800xi32, #tpu.memory_space<vmem>>, vector<16xi32>,
      %gather3A_235 = tpu.vector_load_idx %arg5[%get3A_234] : memref<100000xf32, #tpu.memory_space<vmem>>[vector<16xi32>], vector<16xf32>,
      %add3A_236 = arith.addf %add3A_216, %gather3A_235 : vector<16xf32>
      %get3A_237 = arith.index_cast %select_n3A_81 : i32 to index
      %get3A_238 = arith.constant 368 : index
      %get3A_239 = tpu.vector_load %arg6[%get3A_237, %get3A_238] {strides = array<i32>} : memref<2x800xi32, #tpu.memory_space<vmem>>, vector<16xi32>,
      %gather3A_240 = tpu.vector_load_idx %arg5[%get3A_239] : memref<100000xf32, #tpu.memory_space<vmem>>[vector<16xi32>], vector<16xf32>,
      %add3A_241 = arith.addf %add3A_221, %gather3A_240 : vector<16xf32>
      %get3A_242 = arith.index_cast %select_n3A_81 : i32 to index
      %get3A_243 = arith.constant 384 : index
      %get3A_244 = tpu.vector_load %arg6[%get3A_242, %get3A_243] {strides = array<i32>} : memref<2x800xi32, #tpu.memory_space<vmem>>, vector<16xi32>,
      %gather3A_245 = tpu.vector_load_idx %arg5[%get3A_244] : memref<100000xf32, #tpu.memory_space<vmem>>[vector<16xi32>], vector<16xf32>,
      %add3A_246 = arith.addf %add3A_226, %gather3A_245 : vector<16xf32>
      %get3A_247 = arith.index_cast %select_n3A_81 : i32 to index
      %get3A_248 = arith.constant 400 : index
      %get3A_249 = tpu.vector_load %arg6[%get3A_247, %get3A_248] {strides = array<i32>} : memref<2x800xi32, #tpu.memory_space<vmem>>, vector<16xi32>,
      %gather3A_250 = tpu.vector_load_idx %arg5[%get3A_249] : memref<100000xf32, #tpu.memory_space<vmem>>[vector<16xi32>], vector<16xf32>,
      %add3A_251 = arith.addf %add3A_231, %gather3A_250 : vector<16xf32>
      %get3A_252 = arith.index_cast %select_n3A_81 : i32 to index
      %get3A_253 = arith.constant 416 : index
      %get3A_254 = tpu.vector_load %arg6[%get3A_252, %get3A_253] {strides = array<i32>} : memref<2x800xi32, #tpu.memory_space<vmem>>, vector<16xi32>,
      %gather3A_255 = tpu.vector_load_idx %arg5[%get3A_254] : memref<100000xf32, #tpu.memory_space<vmem>>[vector<16xi32>], vector<16xf32>,
      %add3A_256 = arith.addf %add3A_236, %gather3A_255 : vector<16xf32>
      %get3A_257 = arith.index_cast %select_n3A_81 : i32 to index
      %get3A_258 = arith.constant 432 : index
      %get3A_259 = tpu.vector_load %arg6[%get3A_257, %get3A_258] {strides = array<i32>} : memref<2x800xi32, #tpu.memory_space<vmem>>, vector<16xi32>,
      %gather3A_260 = tpu.vector_load_idx %arg5[%get3A_259] : memref<100000xf32, #tpu.memory_space<vmem>>[vector<16xi32>], vector<16xf32>,
      %add3A_261 = arith.addf %add3A_241, %gather3A_260 : vector<16xf32>
      %get3A_262 = arith.index_cast %select_n3A_81 : i32 to index
      %get3A_263 = arith.constant 448 : index
      %get3A_264 = tpu.vector_load %arg6[%get3A_262, %get3A_263] {strides = array<i32>} : memref<2x800xi32, #tpu.memory_space<vmem>>, vector<16xi32>,
      %gather3A_265 = tpu.vector_load_idx %arg5[%get3A_264] : memref<100000xf32, #tpu.memory_space<vmem>>[vector<16xi32>], vector<16xf32>,
      %add3A_266 = arith.addf %add3A_246, %gather3A_265 : vector<16xf32>
      %get3A_267 = arith.index_cast %select_n3A_81 : i32 to index
      %get3A_268 = arith.constant 464 : index
      %get3A_269 = tpu.vector_load %arg6[%get3A_267, %get3A_268] {strides = array<i32>} : memref<2x800xi32, #tpu.memory_space<vmem>>, vector<16xi32>,
      %gather3A_270 = tpu.vector_load_idx %arg5[%get3A_269] : memref<100000xf32, #tpu.memory_space<vmem>>[vector<16xi32>], vector<16xf32>,
      %add3A_271 = arith.addf %add3A_251, %gather3A_270 : vector<16xf32>
      %get3A_272 = arith.index_cast %select_n3A_81 : i32 to index
      %get3A_273 = arith.constant 480 : index
      %get3A_274 = tpu.vector_load %arg6[%get3A_272, %get3A_273] {strides = array<i32>} : memref<2x800xi32, #tpu.memory_space<vmem>>, vector<16xi32>,
      %gather3A_275 = tpu.vector_load_idx %arg5[%get3A_274] : memref<100000xf32, #tpu.memory_space<vmem>>[vector<16xi32>], vector<16xf32>,
      %add3A_276 = arith.addf %add3A_256, %gather3A_275 : vector<16xf32>
      %get3A_277 = arith.index_cast %select_n3A_81 : i32 to index
      %get3A_278 = arith.constant 496 : index
      %get3A_279 = tpu.vector_load %arg6[%get3A_277, %get3A_278] {strides = array<i32>} : memref<2x800xi32, #tpu.memory_space<vmem>>, vector<16xi32>,
      %gather3A_280 = tpu.vector_load_idx %arg5[%get3A_279] : memref<100000xf32, #tpu.memory_space<vmem>>[vector<16xi32>], vector<16xf32>,
      %add3A_281 = arith.addf %add3A_261, %gather3A_280 : vector<16xf32>
      %get3A_282 = arith.index_cast %select_n3A_81 : i32 to index
      %get3A_283 = arith.constant 512 : index
      %get3A_284 = tpu.vector_load %arg6[%get3A_282, %get3A_283] {strides = array<i32>} : memref<2x800xi32, #tpu.memory_space<vmem>>, vector<16xi32>,
      %gather3A_285 = tpu.vector_load_idx %arg5[%get3A_284] : memref<100000xf32, #tpu.memory_space<vmem>>[vector<16xi32>], vector<16xf32>,
      %add3A_286 = arith.addf %add3A_266, %gather3A_285 : vector<16xf32>
      %get3A_287 = arith.index_cast %select_n3A_81 : i32 to index
      %get3A_288 = arith.constant 528 : index
      %get3A_289 = tpu.vector_load %arg6[%get3A_287, %get3A_288] {strides = array<i32>} : memref<2x800xi32, #tpu.memory_space<vmem>>, vector<16xi32>,
      %gather3A_290 = tpu.vector_load_idx %arg5[%get3A_289] : memref<100000xf32, #tpu.memory_space<vmem>>[vector<16xi32>], vector<16xf32>,
      %add3A_291 = arith.addf %add3A_271, %gather3A_290 : vector<16xf32>
      %get3A_292 = arith.index_cast %select_n3A_81 : i32 to index
      %get3A_293 = arith.constant 544 : index
      %get3A_294 = tpu.vector_load %arg6[%get3A_292, %get3A_293] {strides = array<i32>} : memref<2x800xi32, #tpu.memory_space<vmem>>, vector<16xi32>,
      %gather3A_295 = tpu.vector_load_idx %arg5[%get3A_294] : memref<100000xf32, #tpu.memory_space<vmem>>[vector<16xi32>], vector<16xf32>,
      %add3A_296 = arith.addf %add3A_276, %gather3A_295 : vector<16xf32>
      %get3A_297 = arith.index_cast %select_n3A_81 : i32 to index
      %get3A_298 = arith.constant 560 : index
      %get3A_299 = tpu.vector_load %arg6[%get3A_297, %get3A_298] {strides = array<i32>} : memref<2x800xi32, #tpu.memory_space<vmem>>, vector<16xi32>,
      %gather3A_300 = tpu.vector_load_idx %arg5[%get3A_299] : memref<100000xf32, #tpu.memory_space<vmem>>[vector<16xi32>], vector<16xf32>,
      %add3A_301 = arith.addf %add3A_281, %gather3A_300 : vector<16xf32>
      %get3A_302 = arith.index_cast %select_n3A_81 : i32 to index
      %get3A_303 = arith.constant 576 : index
      %get3A_304 = tpu.vector_load %arg6[%get3A_302, %get3A_303] {strides = array<i32>} : memref<2x800xi32, #tpu.memory_space<vmem>>, vector<16xi32>,
      %gather3A_305 = tpu.vector_load_idx %arg5[%get3A_304] : memref<100000xf32, #tpu.memory_space<vmem>>[vector<16xi32>], vector<16xf32>,
      %add3A_306 = arith.addf %add3A_286, %gather3A_305 : vector<16xf32>
      %get3A_307 = arith.index_cast %select_n3A_81 : i32 to index
      %get3A_308 = arith.constant 592 : index
      %get3A_309 = tpu.vector_load %arg6[%get3A_307, %get3A_308] {strides = array<i32>} : memref<2x800xi32, #tpu.memory_space<vmem>>, vector<16xi32>,
      %gather3A_310 = tpu.vector_load_idx %arg5[%get3A_309] : memref<100000xf32, #tpu.memory_space<vmem>>[vector<16xi32>], vector<16xf32>,
      %add3A_311 = arith.addf %add3A_291, %gather3A_310 : vector<16xf32>
      %get3A_312 = arith.index_cast %select_n3A_81 : i32 to index
      %get3A_313 = arith.constant 608 : index
      %get3A_314 = tpu.vector_load %arg6[%get3A_312, %get3A_313] {strides = array<i32>} : memref<2x800xi32, #tpu.memory_space<vmem>>, vector<16xi32>,
      %gather3A_315 = tpu.vector_load_idx %arg5[%get3A_314] : memref<100000xf32, #tpu.memory_space<vmem>>[vector<16xi32>], vector<16xf32>,
      %add3A_316 = arith.addf %add3A_296, %gather3A_315 : vector<16xf32>
      %get3A_317 = arith.index_cast %select_n3A_81 : i32 to index
      %get3A_318 = arith.constant 624 : index
      %get3A_319 = tpu.vector_load %arg6[%get3A_317, %get3A_318] {strides = array<i32>} : memref<2x800xi32, #tpu.memory_space<vmem>>, vector<16xi32>,
      %gather3A_320 = tpu.vector_load_idx %arg5[%get3A_319] : memref<100000xf32, #tpu.memory_space<vmem>>[vector<16xi32>], vector<16xf32>,
      %add3A_321 = arith.addf %add3A_301, %gather3A_320 : vector<16xf32>
      %get3A_322 = arith.index_cast %select_n3A_81 : i32 to index
      %get3A_323 = arith.constant 640 : index
      %get3A_324 = tpu.vector_load %arg6[%get3A_322, %get3A_323] {strides = array<i32>} : memref<2x800xi32, #tpu.memory_space<vmem>>, vector<16xi32>,
      %gather3A_325 = tpu.vector_load_idx %arg5[%get3A_324] : memref<100000xf32, #tpu.memory_space<vmem>>[vector<16xi32>], vector<16xf32>,
      %add3A_326 = arith.addf %add3A_306, %gather3A_325 : vector<16xf32>
      %get3A_327 = arith.index_cast %select_n3A_81 : i32 to index
      %get3A_328 = arith.constant 656 : index
      %get3A_329 = tpu.vector_load %arg6[%get3A_327, %get3A_328] {strides = array<i32>} : memref<2x800xi32, #tpu.memory_space<vmem>>, vector<16xi32>,
      %gather3A_330 = tpu.vector_load_idx %arg5[%get3A_329] : memref<100000xf32, #tpu.memory_space<vmem>>[vector<16xi32>], vector<16xf32>,
      %add3A_331 = arith.addf %add3A_311, %gather3A_330 : vector<16xf32>
      %get3A_332 = arith.index_cast %select_n3A_81 : i32 to index
      %get3A_333 = arith.constant 672 : index
      %get3A_334 = tpu.vector_load %arg6[%get3A_332, %get3A_333] {strides = array<i32>} : memref<2x800xi32, #tpu.memory_space<vmem>>, vector<16xi32>,
      %gather3A_335 = tpu.vector_load_idx %arg5[%get3A_334] : memref<100000xf32, #tpu.memory_space<vmem>>[vector<16xi32>], vector<16xf32>,
      %add3A_336 = arith.addf %add3A_316, %gather3A_335 : vector<16xf32>
      %get3A_337 = arith.index_cast %select_n3A_81 : i32 to index
      %get3A_338 = arith.constant 688 : index
      %get3A_339 = tpu.vector_load %arg6[%get3A_337, %get3A_338] {strides = array<i32>} : memref<2x800xi32, #tpu.memory_space<vmem>>, vector<16xi32>,
      %gather3A_340 = tpu.vector_load_idx %arg5[%get3A_339] : memref<100000xf32, #tpu.memory_space<vmem>>[vector<16xi32>], vector<16xf32>,
      %add3A_341 = arith.addf %add3A_321, %gather3A_340 : vector<16xf32>
      %get3A_342 = arith.index_cast %select_n3A_81 : i32 to index
      %get3A_343 = arith.constant 704 : index
      %get3A_344 = tpu.vector_load %arg6[%get3A_342, %get3A_343] {strides = array<i32>} : memref<2x800xi32, #tpu.memory_space<vmem>>, vector<16xi32>,
      %gather3A_345 = tpu.vector_load_idx %arg5[%get3A_344] : memref<100000xf32, #tpu.memory_space<vmem>>[vector<16xi32>], vector<16xf32>,
      %add3A_346 = arith.addf %add3A_326, %gather3A_345 : vector<16xf32>
      %get3A_347 = arith.index_cast %select_n3A_81 : i32 to index
      %get3A_348 = arith.constant 720 : index
      %get3A_349 = tpu.vector_load %arg6[%get3A_347, %get3A_348] {strides = array<i32>} : memref<2x800xi32, #tpu.memory_space<vmem>>, vector<16xi32>,
      %gather3A_350 = tpu.vector_load_idx %arg5[%get3A_349] : memref<100000xf32, #tpu.memory_space<vmem>>[vector<16xi32>], vector<16xf32>,
      %add3A_351 = arith.addf %add3A_331, %gather3A_350 : vector<16xf32>
      %get3A_352 = arith.index_cast %select_n3A_81 : i32 to index
      %get3A_353 = arith.constant 736 : index
      %get3A_354 = tpu.vector_load %arg6[%get3A_352, %get3A_353] {strides = array<i32>} : memref<2x800xi32, #tpu.memory_space<vmem>>, vector<16xi32>,
      %gather3A_355 = tpu.vector_load_idx %arg5[%get3A_354] : memref<100000xf32, #tpu.memory_space<vmem>>[vector<16xi32>], vector<16xf32>,
      %add3A_356 = arith.addf %add3A_336, %gather3A_355 : vector<16xf32>
      %get3A_357 = arith.index_cast %select_n3A_81 : i32 to index
      %get3A_358 = arith.constant 752 : index
      %get3A_359 = tpu.vector_load %arg6[%get3A_357, %get3A_358] {strides = array<i32>} : memref<2x800xi32, #tpu.memory_space<vmem>>, vector<16xi32>,
      %gather3A_360 = tpu.vector_load_idx %arg5[%get3A_359] : memref<100000xf32, #tpu.memory_space<vmem>>[vector<16xi32>], vector<16xf32>,
      %add3A_361 = arith.addf %add3A_341, %gather3A_360 : vector<16xf32>
      %get3A_362 = arith.index_cast %select_n3A_81 : i32 to index
      %get3A_363 = arith.constant 768 : index
      %get3A_364 = tpu.vector_load %arg6[%get3A_362, %get3A_363] {strides = array<i32>} : memref<2x800xi32, #tpu.memory_space<vmem>>, vector<16xi32>,
      %gather3A_365 = tpu.vector_load_idx %arg5[%get3A_364] : memref<100000xf32, #tpu.memory_space<vmem>>[vector<16xi32>], vector<16xf32>,
      %add3A_366 = arith.addf %add3A_346, %gather3A_365 : vector<16xf32>
      %get3A_367 = arith.index_cast %select_n3A_81 : i32 to index
      %get3A_368 = arith.constant 784 : index
      %get3A_369 = tpu.vector_load %arg6[%get3A_367, %get3A_368] {strides = array<i32>} : memref<2x800xi32, #tpu.memory_space<vmem>>, vector<16xi32>,
      %gather3A_370 = tpu.vector_load_idx %arg5[%get3A_369] : memref<100000xf32, #tpu.memory_space<vmem>>[vector<16xi32>], vector<16xf32>,
      %add3A_371 = arith.addf %add3A_351, %gather3A_370 : vector<16xf32>
      %add3A_372 = arith.addf %add3A_366, %add3A_371 : vector<16xf32>
      %add3A_373 = arith.addf %add3A_356, %add3A_361 : vector<16xf32>
      %add3A_374 = arith.addf %add3A_372, %add3A_373 : vector<16xf32>
      %mul3A_375 = vector.broadcast %scan3A_66 : f32 to vector<16xf32>
      %mul3A_376 = arith.mulf %add3A_374, %mul3A_375 : vector<16xf32>
      %mul3A_377 = arith.constant 16 : i32
      %mul3A_378 = arith.muli %scan3A_72, %mul3A_377 : i32
      %swap3A = arith.index_cast %mul3A_378 : i32 to index
      %swap3A_379 = tpu.vector_load %arg7[%swap3A] {strides = array<i32>} : memref<1024xf32, #tpu.memory_space<vmem>>, vector<16xf32>,
      tpu.vector_store %arg7[%swap3A], %mul3A_376 {strides = array<i32>} : memref<1024xf32, #tpu.memory_space<vmem>>, vector<16xf32>,
    }
    %scan3A_71 = arith.constant 64 : i32
    "tpu.region"() ({
      %run_scoped3A = tpu.sem_alloc : memref<!tpu.dma_semaphore, #tpu.memory_space<semaphore_mem>>
      %dma_start3A_72 = arith.constant 0 : i32
      %dma_start3A_73 = tpu.memref_slice %arg4[%add3A_38, %dma_start3A_72] : memref<64x1024xf32, #tpu.memory_space<hbm>> -> memref<1x1024xf32, #tpu.memory_space<hbm>>
      %dma_start3A_74 = tpu.memref_squeeze %dma_start3A_73 : memref<1x1024xf32, #tpu.memory_space<hbm>> -> memref<1024xf32, #tpu.memory_space<hbm>>
      %dma_start3A_75 = arith.constant 0 : i32
      %dma_start3A_76 = tpu.memref_slice %arg4[%add3A_38, %dma_start3A_75] : memref<64x1024xf32, #tpu.memory_space<hbm>> -> memref<1x1024xf32, #tpu.memory_space<hbm>>
      %dma_start3A_77 = tpu.memref_squeeze %dma_start3A_76 : memref<1x1024xf32, #tpu.memory_space<hbm>> -> memref<1024xf32, #tpu.memory_space<hbm>>
      tpu.enqueue_dma source(%arg7 : memref<1024xf32, #tpu.memory_space<vmem>>) target(%dma_start3A_77 : memref<1024xf32, #tpu.memory_space<hbm>>) target_semaphore(%run_scoped3A : memref<!tpu.dma_semaphore, #tpu.memory_space<semaphore_mem>>)
      %dma_wait3A_78 = arith.constant 0 : i32
      %dma_wait3A_79 = tpu.memref_slice %arg4[%add3A_38, %dma_wait3A_78] : memref<64x1024xf32, #tpu.memory_space<hbm>> -> memref<1x1024xf32, #tpu.memory_space<hbm>>
      %dma_wait3A_80 = tpu.memref_squeeze %dma_wait3A_79 : memref<1x1024xf32, #tpu.memory_space<hbm>> -> memref<1024xf32, #tpu.memory_space<hbm>>
      %dma_wait3A_81 = arith.constant 0 : i32
      %dma_wait3A_82 = tpu.memref_slice %arg4[%add3A_38, %dma_wait3A_81] : memref<64x1024xf32, #tpu.memory_space<hbm>> -> memref<1x1024xf32, #tpu.memory_space<hbm>>
      %dma_wait3A_83 = tpu.memref_squeeze %dma_wait3A_82 : memref<1x1024xf32, #tpu.memory_space<hbm>> -> memref<1024xf32, #tpu.memory_space<hbm>>
      tpu.wait_dma2 semaphore(%run_scoped3A : memref<!tpu.dma_semaphore, #tpu.memory_space<semaphore_mem>>) src(%arg7 : memref<1024xf32, #tpu.memory_space<vmem>>) dst(%dma_wait3A_83 : memref<1024xf32, #tpu.memory_space<hbm>>)
      tpu.yield
    }) : () -> ()
    return
  }
}

module attributes {stable_mosaic.version = 14 : i64} {
  func.func @_linear_body(%arg0: memref<64x1024xf32, #tpu.memory_space<vmem>>, %arg1: memref<64x128xf32, #tpu.memory_space<vmem>>, %arg2: memref<1x128xf32, #tpu.memory_space<vmem>>, %arg3: memref<1024x128xf32, #tpu.memory_space<vmem>>) attributes {dimension_semantics = [], scalar_prefetch = 0 : i64, scratch_operands = 0 : i64, tpu.core_type = #tpu.core_type<tc>} {
    %get3A = arith.constant 0 : index
    %get3A_0 = arith.constant 0 : index
    %get3A_1 = vector.load %arg0[%get3A, %get3A_0] : memref<64x1024xf32, #tpu.memory_space<vmem>>, vector<64x1024xf32>
    %get3A_2 = arith.constant 0 : index
    %get3A_3 = arith.constant 0 : index
    %get3A_4 = vector.load %arg1[%get3A_2, %get3A_3] : memref<64x128xf32, #tpu.memory_space<vmem>>, vector<64x128xf32>
    %dot_general3A = arith.constant dense<0.000000e+00> : vector<1024x128xf32>
    %dot_general3A_5 = tpu.matmul %get3A_1, %get3A_4, %dot_general3A {dimension_numbers = #tpu.dot_dimension_numbers<[0], [0], [1], [1], [0, 1, 1, 1], [], []>, transpose_lhs_hint = false} : vector<64x1024xf32>, vector<64x128xf32>, vector<1024x128xf32> -> vector<1024x128xf32>
    %get3A_6 = arith.constant 0 : index
    %get3A_7 = arith.constant 0 : index
    %get3A_8 = vector.load %arg2[%get3A_6, %get3A_7] : memref<1x128xf32, #tpu.memory_space<vmem>>, vector<1x128xf32>
    %add3A = vector.broadcast %get3A_8 : vector<1x128xf32> to vector<1024x128xf32>
    %add3A_9 = arith.addf %dot_general3A_5, %add3A : vector<1024x128xf32>
    %swap3A = arith.constant 0 : index
    %swap3A_10 = arith.constant 0 : index
    %swap3A_11 = vector.load %arg3[%swap3A, %swap3A_10] : memref<1024x128xf32, #tpu.memory_space<vmem>>, vector<1024x128xf32>
    tpu.vector_store %arg3[%swap3A, %swap3A_10], %add3A_9 {strides = array<i32>} : memref<1024x128xf32, #tpu.memory_space<vmem>>, vector<1024x128xf32>,
    return
  }
}

</mosaic_0001>

<sc_bundles>
// kernel: kernel.4.cloned.1.call-start
scs
__scs_entry_jumppad:
0x0: {  	(pc) =	sbr.rel $0x88, $3  }
0x1: {  	(tag) =	ssettag $0x0;
	lr =	simm.s32 $0x1  }
0x2: {  	[smem:$0x3F9D] =	sst lr;
	_ =	strace $0xD0000000  }
0x3: {  	_ = 	snop  }
0x4: {  	_ = 	snop  }
0x5: {  	_ = 	snop  }
0x6: {  	_ = 	snop  }
0x7: {  	_ = 	snop  }
__scs_overlays_trampoline_lowered:
0x8: {  	[smem:$0x3FAC] =	sst s0  }
0x9: {  	[smem:$0x3FAD] =	sst s1  }
0xa: {  	[smem:$0x3FAE] =	sst s2  }
0xb: {  	[smem:$0x3FAF] =	sst s3  }
0xc: {  	[smem:$0x3FB0] =	sst s4  }
0xd: {  	[smem:$0x3FB1] =	sst s5  }
0xe: {  	[smem:$0x3FB2] =	sst s6  }
0xf: {  	[smem:$0x3FB3] =	sst s7  }
0x10: {  	[smem:$0x3FB4] =	sst s8  }
0x11: {  	[smem:$0x3FB5] =	sst s9;
	s0 =	simm.s32 @!p0 $0x0  }
0x12: {  	s1 =	sld [smem:$0x3F9B];
	s0 =	simm.s32 @p0 $0x1  }
0x13: {  	[smem:$0x3FB6] =	sst s0;
	s0 =	simm.s32 @!p1 $0x0  }
0x14: {  	s2 =	sld [smem:$0x3F9A];
	s0 =	simm.s32 @p1 $0x1  }
0x15: {  	[smem:$0x3FB7] =	sst s0;
	s0 =	simm.s32 @!p2 $0x0  }
0x16: {  	s3 =	sld [smem:$0x3FDB];
	s0 =	simm.s32 @p2 $0x1  }
0x17: {  	s4 =	simm.s32 $0x1BF5;
	[smem:$0x3FB9] =	sst s0  }
0x18: {  	s0 =	sld [smem:$0x3F9C];
	_ =	swait.ge [sflag:s4], $0x0  }
0x19: {  	s7 =	sld [smem:$0x3F9D]  }
0x1a: {  	s8 =	sadd.s32 $0xFFFFE003, lr  }
0x1b: {  	s9 =	sadd.s32 $0xFFFFFEF7, lr;
	s5 =	simm.s32 $0xFFFFFFFF;
	p2 =	slt.u32 s8, $0xFFFFF086  }
0x1c: {  	p1 =	slt.u32 s9, $0xF7A;
	s5 =	simm.s32 @!p2 $0x0  }
0x1d: {  	s5 =	simm.s32 @p1 $0x1;
	p0 =	seq.s32 s7, s2  }
0x1e: {  	s7 =	smul.u32 @!p0 $0xF7A, s2;
	p2 =	seq.s32 @!p0 s5, $0x0  }
0x1f: {  	s9 =	smul.u32 $0xF7A, s1;
	s8 =	simm.s32 @!p0 $0x1BF5;
	p2 =	por !p2, p0  }
0x20: {  	[sflag:s8] =	ssyncset.s32 @!p0 $0xFFFFF086;
	s6 =	sadd.s32 @!p0 s3, s7;
	s7 =	simm.s32 @!p0 $0x108  }
0x21: {  	s3 =	sadd.s32 s3, s9;
	s6 =	sadd.s32 @!p0 $0x88, s6;
	s7 =	simm.s32 @p2 $0x1082  }
0x22: {  	[simem:s7], [sflag:s8] =	dma.local @!p0 [hbm:s6], $0xF7A  }
0x23: {  	s9 =	sor.u32 $0xD0000000, s2;
	s6 =	simm.s32 $0x108;
	_ =	swait.ge @!p0 [sflag:s8], $0x0  }
0x24: {  	s3 =	sadd.s32 $0x88, s3;
	s6 =	simm.s32 @!p1 $0x1082;
	[sflag:s4] =	ssyncset.s32 $0xFFFFF086  }
0x25: {  	[simem:s6], [sflag:s4] =	dma.local [hbm:s3], $0xF7A  }
0x26: {  	[smem:$0x3F9D] =	sst s1;
	(tag) =	ssettag s2;
	_ =	strace s9  }
0x27: {  	s1 =	sld [smem:$0x3FAD]  }
0x28: {  	s2 =	sld [smem:$0x3FAE]  }
0x29: {  	s4 =	sld [smem:$0x3FB0]  }
0x2a: {  	p0 =	seq.s32 s5, $0x0;
	s5 =	sld [smem:$0x3FB1]  }
0x2b: {  	s6 =	sld [smem:$0x3FB2]  }
0x2c: {  	s7 =	sld [smem:$0x3FB3]  }
0x2d: {  	s3 =	simm.s32 $0x108;
	s8 =	sld [smem:$0x3FB4]  }
0x2e: {  	s3 =	simm.s32 @!p0 $0x1082;
	s9 =	sld [smem:$0x3FB5]  }
0x2f: {  	lr =	sadd.s32 s0, s3;
	s0 =	sld [smem:$0x3FAC]  }
0x30: {  	s3 =	sld [smem:$0x3FAF]  }
0x31: {  	[smem:$0x3FB8] =	sst s10  }
0x32: {  	s10 =	sld [smem:$0x3FB6];
	_ =	sdelay $0x3  }
0x33: {  	p0 =	seq.s32 s10, $0x1;
	s10 =	sld [smem:$0x3FB8];
	_ =	sdelay $0x3  }
0x34: {  	[smem:$0x3FB8] =	sst s10  }
0x35: {  	s10 =	sld [smem:$0x3FB7];
	_ =	sdelay $0x3  }
0x36: {  	p1 =	seq.s32 s10, $0x1;
	s10 =	sld [smem:$0x3FB8];
	_ =	sdelay $0x3  }
0x37: {  	[smem:$0x3FB8] =	sst s10  }
0x38: {  	s10 =	sld [smem:$0x3FB9]  }
0x39: {  	_ = 	snop;
	(pc) =	sbr.ind lr, $3  }
0x3a: {  	_ = 	snop  }
0x3b: {  	_ = 	snop  }
0x3c: {  	p2 =	seq.s32 s10, $0x1;
	s10 =	sld [smem:$0x3FB8]  }
0x3d: {  	_ =	shalt  }
0x3e: {  	_ =	shalt  }
0x3f: {  	_ =	shalt  }
0x40: {  	_ =	shalt  }
0x41: {  	_ =	shalt  }
0x42: {  	_ =	shalt  }
0x43: {  	_ =	shalt  }
0x44: {  	_ =	shalt  }
0x45: {  	_ =	shalt  }
0x46: {  	_ =	shalt  }
0x47: {  	_ =	shalt  }
0x48: {  	_ =	shalt  }
0x49: {  	_ =	shalt  }
0x4a: {  	_ =	shalt  }
0x4b: {  	_ =	shalt  }
0x4c: {  	_ =	shalt  }
0x4d: {  	_ =	shalt  }
0x4e: {  	_ =	shalt  }
0x4f: {  	_ =	shalt  }
0x50: {  	_ =	shalt  }
0x51: {  	_ =	shalt  }
0x52: {  	_ =	shalt  }
0x53: {  	_ =	shalt  }
0x54: {  	_ =	shalt  }
0x55: {  	_ =	shalt  }
0x56: {  	_ =	shalt  }
0x57: {  	_ =	shalt  }
0x58: {  	_ =	shalt  }
0x59: {  	_ =	shalt  }
0x5a: {  	_ =	shalt  }
0x5b: {  	_ =	shalt  }
0x5c: {  	_ =	shalt  }
0x5d: {  	_ =	shalt  }
0x5e: {  	_ =	shalt  }
0x5f: {  	_ =	shalt  }
0x60: {  	_ =	shalt  }
0x61: {  	_ =	shalt  }
0x62: {  	_ =	shalt  }
0x63: {  	_ =	shalt  }
0x64: {  	_ =	shalt  }
0x65: {  	_ =	shalt  }
0x66: {  	_ =	shalt  }
0x67: {  	_ =	shalt  }
0x68: {  	_ =	shalt  }
0x69: {  	_ =	shalt  }
0x6a: {  	_ =	shalt  }
0x6b: {  	_ =	shalt  }
0x6c: {  	_ =	shalt  }
0x6d: {  	_ =	shalt  }
0x6e: {  	_ =	shalt  }
0x6f: {  	_ =	shalt  }
0x70: {  	_ =	shalt  }
0x71: {  	_ =	shalt  }
0x72: {  	_ =	shalt  }
0x73: {  	_ =	shalt  }
0x74: {  	_ =	shalt  }
0x75: {  	_ =	shalt  }
0x76: {  	_ =	shalt  }
0x77: {  	_ =	shalt  }
0x78: {  	_ =	shalt  }
0x79: {  	_ =	shalt  }
0x7a: {  	_ =	shalt  }
0x7b: {  	_ =	shalt  }
0x7c: {  	_ =	shalt  }
0x7d: {  	_ =	shalt  }
0x7e: {  	_ =	shalt  }
0x7f: {  	_ =	shalt  }
0x80: {  	_ =	shalt  }
0x81: {  	_ =	shalt  }
0x82: {  	_ =	shalt  }
0x83: {  	_ =	shalt  }
0x84: {  	_ =	shalt  }
0x85: {  	_ =	shalt  }
0x86: {  	_ =	shalt  }
0x87: {  	_ =	shalt  }
.Lfunc_end0:
.L_simem_size_0:
called_computation_lowered:
.L_overlay_start_0:
0x88: {  	s2 =	sld [smem:$0x3FD9]  }
0x89: {  	s3 =	sld [smem:$0x3FFE];
	_ =	sdelay $0x1  }
0x8a: {  	s1 =	srdreg.scid  }
0x8b: {  	s0 =	sand.u32 $0x1, s1  }
0x8c: {  	s17 =	sshll.u32 s0, $0xA;
	s2 =	sadd.s32 s3, s2  }
0x8d: {  	s2 =	sadd.s32 s2, s17  }
0x8e: {  	[smem:$0x3FC4] =	sst s2  }
0x8f: {  	_ = 	snop  }
0x90: {  	s2 =	sld [smem:$0x3FC8]  }
0x91: {  	s18 =	sld [smem:$0x3FD0];
	(tm) =	ssettm $0x1  }
0x92: {  	s4 =	sld [smem:$0x3FFB];
	_ =	sdelay $0x3  }
0x93: {  	_ =	strace s4  }
0x94: {  	s4 =	sld [smem:$0x3FFC];
	_ =	sdelay $0x3  }
0x95: {  	_ =	strace s4  }
0x96: {  	s4 =	sld [smem:$0x3FFD];
	_ =	sdelay $0x3  }
0x97: {  	_ =	strace s4  }
0x98: {  	_ =	strace $0x8FFFFFFF  }
0x99: {  	s19 =	sld [smem:$0x3FDB];
	_ =	sdelay $0x1  }
0x9a: {  	s5 =	simm.s32 $_scs_section_size  }
0x9b: {  	s6 =	simm.s32 $_size__tile_overlayer_lowered;
	s7 =	simm.s32 $_tile_overlayer_lowered  }
0x9c: {  	s22 =	simm.s32 $0x1BFF;
	s21 =	sshll.u32 s7, $0x1;
	s4 =	sadd.s32 s5, s19  }
0x9d: {  	s8 =	simm.s32 $0x0;
	s20 =	sshll.u32 s6, $0x1;
	s6 =	sadd.s32 s21, s4  }
0x9e: {  	[timem:s8], [sflag:s22] =	dma.local [hbm:s6], s20  }
0x9f: {  	_ =	swait.ge [sflag:s22], s20  }
0xa0: {  	s5 =	ssub.s32 $0x0, s20;
	[sflag:s22] =	ssyncset.done $0x0  }
0xa1: {  	[sflag:s22] =	ssyncadd.s32 s5;
	_ =	sdelay $0x1  }
0xa2: {  	s23 =	simm.s32 $0x1B8B  }
0xa3: {  	_ =	swait.ge [sflag:s23], $0x1  }
0xa4: {  	[sflag:s23] =	ssyncset.done $0x0  }
0xa5: {  	s25 =	simm.s32 $0x1B8E;
	s24 =	sld [smem:$0x3FFE];
	[sflag:s23] =	ssyncadd.s32 $0xFFFFFFFF  }
0xa6: {  	s26 =	simm.s32 $execute0_lowered;
	[smem:$0x3FD2] =	sst s25  }
0xa7: {  	s6 =	sshll.u32 s26, $0x1;
	_ =	strace $0x80000046;
	[dreg:$0x1] =	wrdreg $0xFFFFFFFF  }
0xa8: {  	s28 =	simm.s32 $_size_execute0_lowered;
	s4 =	sadd.s32 s4, s6;
	[dreg:$0x0] =	wrdreg $0x0  }
0xa9: {  	s6 =	sshll.u32 s28, $0x1;
	[dreg:$0x2] =	wrdreg s4  }
0xaa: {  	[dreg:$0x3] =	wrdreg s6  }
0xab: {  	[dreg:$0x4] =	wrdreg $0xC0  }
0xac: {  	_ =	task [dreg:s8], $0x5FFFF  }
0xad: {  	[dreg:$0x1] =	wrdreg $0xFFFFFFFF  }
0xae: {  	[dreg:$0x0] =	wrdreg $0x60  }
0xaf: {  	[dreg:$0x2] =	wrdreg s24  }
0xb0: {  	[dreg:$0x3] =	wrdreg s2  }
0xb1: {  	[dreg:$0x4] =	wrdreg s18  }
0xb2: {  	[dreg:$0x5] =	wrdreg $0x9  }
0xb3: {  	_ =	task.clear_ibuf [dreg:s8], $0x6FFFF;
	_ =	strace $0x90000046  }
0xb4: {  	s29 =	simm.s32 $0x9;
	_ =	strace $0x80000048  }
0xb5: {  	_ =	swait.ge [sflag:s29], $0x1  }
0xb6: {  	[sflag:s29] =	ssyncadd.s32 $0xFFFFFFFF  }
0xb7: {  	_ =	strace $0x90000048  }
0xb8: {  	_ =	sfence  }
0xb9: {  	s30 =	sld [smem:$0x0];
	_ =	sdelay $0x2  }
0xba: {  	s31 =	sshll.u32 s1, $0xD;
	s1 =	sshrl.u32 s1, $0x2  }
0xbb: {  	s3 =	sand.u32 $0x4000, s31;
	s1 =	sadd.s32 s1, s30  }
0xbc: {  	s0 =	sor.u32 s3, s0;
	s1 =	sshll.u32 s1, $0x11  }
0xbd: {  	s0 =	sor.u32 s1, s0  }
0xbe: {  	s0 =	sadd.s32 $0x8F2B, s0  }
0xbf: {  	[sflag:s0] =	ssyncadd.remote.s32 $0x1  }
0xc0: {  	_ =	sfence.sel $0xFFFF  }
0xc1: {  	[dreg:$0x0] =	wrdreg $0xFFFFFFFF;
	(pc) =	sbr.abs _section_cstart, $3  }
0xc2: {  	[dreg:$0x1] =	wrdreg $0xFFFFFFFF  }
0xc3: {  	_ =	task.clear_ibuf [dreg:s8], $0x2FFFF;
	_ =	strace $0x9FFFFFFF  }
0xc4: {  	(tm) =	ssettm $0x7FFFFFFF  }
0xc5: {  	_ =	shalt  }
tec
execute0_lowered:
.L_overlay_start_1:
0x0: {  	(tag) =	ssettag $0x1  }
0x1: {  	s0 =	rddreg [dreg:$0x0]  }
0x2: {  	s6 =	rddreg [dreg:$0x1]  }
0x3: {  	s7 =	rddreg [dreg:$0x2]  }
0x4: {  	s2 =	simm.s32 $0x0;
	s3 =	srdreg.scid;
	s1 =	stileid.u32  }
0x5: {  	s15 =	simm.s32 $0x18700;
	s16 =	simm.s32 $0x18800;
	s17 =	simm.s32 $0x18900  }
0x6: {  	s18 =	simm.s32 $0x18A00;
	s19 =	simm.s32 $0x18B00;
	s20 =	simm.s32 $0x18C00  }
0x7: {  	s21 =	simm.s32 $0x18D00;
	s22 =	simm.s32 $0x80;
	s23 =	simm.s32 $0x400  }
0x8: {  	s24 =	simm.s32 $0x2;
	s25 =	simm.s32 $0x3;
	s28 =	simm.s32 $0x0  }
0x9: {  	[smem:$0x7FF] =	sst s2;
	s3 =	sand.u32 $0x1, s3;
	s5 =	sshll.u32 s1, $0x9  }
0xa: {  	s8 =	sshrl.u32 s1, $0x1;
	s12 =	sadd.s32 $0xC00, s0;
	s13 =	sadd.s32 $0xC80, s0  }
0xb: {  	s14 =	sadd.s32 $0xD00, s0;
	s4 =	ssub.s32 $0x2, s3;
	s3 =	sshll.u32 s3, $0x8  }
0xc: {  	s5 =	sand.u32 $0x200, s5;
	s9 =	smul.u32 $0xC3800, s8;
	_ =	strace $0x80000047  }
0xd: {  	s8 =	sshll.u32 s8, $0xD;
	s10 =	sshrl.u32 s4, $0x1;
	s5 =	sor.u32 s3, s5  }
0xe: {  	s3 =	sadd.s32 $0xA00, s0;
	s10 =	ssub.s32 s4, s10;
	s29 =	sor.u32 s9, s5  }
0xf: {  	s11 =	sor.u32 $0x80, s5;
	s5 =	sor.u32 s8, s5;
	s4 =	sshrl.u32 s29, $0x3  }
0x10: {  	s9 =	sor.u32 s9, s11;
	s5 =	sshrl.u32 s5, $0x3;
	s8 =	sor.u32 s8, s11  }
0x11: {  	s11 =	sadd.s32 $0xB80, s0;
	s30 =	sadd.s32 s6, s4;
	s9 =	sshrl.u32 s9, $0x3  }
0x12: {  	s31 =	sadd.s32 s7, s5;
	s8 =	sshrl.u32 s8, $0x3;
	[dreg:$0x4] =	wrdreg s30  }
0x13: {  	[dreg:$0x5] =	wrdreg s31;
	s6 =	sadd.s32 s6, s9;
	s7 =	sadd.s32 s7, s8  }
0x14: {  	s8 =	smax.u32 s10, $0x1;
	s9 =	sadd.s32 $0xA80, s0;
	s10 =	sadd.s32 $0xB00, s0  }
.LBB2_1:
0x15: {  	[tilespmem:s15], [sflag:$0x2] =	stream.linear.gather [hbm4b:s3+s2], $0x80, $0x38;
	[tilespmem:$0x19200] =	vst v63  }
0x16: {  	_ = 	snop  }
0x17: {  	[tilespmem:s16], [sflag:$0x2] =	stream.linear.gather [hbm4b:s9+s2], $0x80, $0x38;
	[tilespmem:$0x19200] =	vst v63  }
0x18: {  	_ = 	snop  }
0x19: {  	[tilespmem:s17], [sflag:$0x2] =	stream.linear.gather [hbm4b:s10+s2], $0x80, $0x38;
	[tilespmem:$0x19200] =	vst v63  }
0x1a: {  	_ = 	snop  }
0x1b: {  	[tilespmem:s18], [sflag:$0x2] =	stream.linear.gather [hbm4b:s11+s2], $0x80, $0x38;
	[tilespmem:$0x19200] =	vst v63  }
0x1c: {  	_ = 	snop  }
0x1d: {  	[tilespmem:s19], [sflag:$0x2] =	stream.linear.gather [hbm4b:s12+s2], $0x80, $0x38;
	[tilespmem:$0x19200] =	vst v63  }
0x1e: {  	_ = 	snop  }
0x1f: {  	[tilespmem:s20], [sflag:$0x2] =	stream.linear.gather [hbm4b:s13+s2], $0x80, $0x38;
	[tilespmem:$0x19200] =	vst v63  }
0x20: {  	_ = 	snop  }
0x21: {  	[tilespmem:s21], [sflag:$0x2] =	stream.linear.gather [hbm4b:s14+s2], $0x80, $0x38;
	[tilespmem:$0x19200] =	vst v63  }
0x22: {  	s0 =	rddreg [dreg:$0x4];
	s29 =	simm.s32 $0x1  }
0x23: {  	[tilespmem:s2], [sflag:$0x1] =	stream.strided.gather [hbm4b:s0+s22], $0x18700, s23, s22, $0x38;
	[tilespmem:$0x19200] =	vst v63  }
0x24: {  	_ =	swait.ge [sflag:s29], $0x18700  }
0x25: {  	[sflag:s29] =	ssyncset.done $0x0  }
0x26: {  	s30 =	simm.s32 $0x0;
	s31 =	simm.s32 $0x18E00;
	[sflag:s29] =	ssyncadd.s32 $0xFFFE7900  }
.LBB2_2:
0x27: {  	p0 =	seq.s32 s30, $0x1F80  }
0x28: {  	s0 =	sshrl.u32 @!p0 s29, $0x3  }
0x29: {  	s1 =	sadd.s32 @!p0 $0x80, s30;
	s0 =	smul.u32 @!p0 $0x1C00, s0  }
0x2a: {  	s26 =	sand.u32 @!p0 $0x380, s1  }
0x2b: {  	s0 =	sor.u32 @!p0 s26, s0  }
0x2c: {  	s1 =	sand.u32 @!p0 $0x80, s1;
	s0 =	sshrl.u32 @!p0 s0, $0x3  }
0x2d: {  	s4 =	simm.s32 @!p0 $0x0;
	s26 =	sor.u32 @!p0 $0x18700, s1;
	s0 =	sadd.s32 @!p0 s3, s0  }
0x2e: {  	[tilespmem:s26], [sflag:$0x2] =	stream.linear.gather @!p0 [hbm4b:s0+s4], $0x80, $0x38;
	[tilespmem:$0x19200] =	vst v63  }
0x2f: {  	s5 =	sor.u32 @!p0 $0x18800, s1;
	s26 =	sadd.s32 @!p0 $0x80, s0  }
0x30: {  	[tilespmem:s5], [sflag:$0x2] =	stream.linear.gather @!p0 [hbm4b:s26+s4], $0x80, $0x38;
	[tilespmem:$0x19200] =	vst v63  }
0x31: {  	s5 =	sadd.s32 @!p0 $0x100, s0;
	s26 =	sor.u32 @!p0 $0x18900, s1  }
0x32: {  	[tilespmem:s26], [sflag:$0x2] =	stream.linear.gather @!p0 [hbm4b:s5+s4], $0x80, $0x38;
	[tilespmem:$0x19200] =	vst v63  }
0x33: {  	s5 =	sadd.s32 @!p0 $0x180, s0;
	s26 =	sor.u32 @!p0 $0x18A00, s1  }
0x34: {  	[tilespmem:s26], [sflag:$0x2] =	stream.linear.gather @!p0 [hbm4b:s5+s4], $0x80, $0x38;
	[tilespmem:$0x19200] =	vst v63  }
0x35: {  	s5 =	sadd.s32 @!p0 $0x200, s0;
	s26 =	sor.u32 @!p0 $0x18B00, s1  }
0x36: {  	[tilespmem:s26], [sflag:$0x2] =	stream.linear.gather @!p0 [hbm4b:s5+s4], $0x80, $0x38;
	[tilespmem:$0x19200] =	vst v63  }
0x37: {  	s5 =	sadd.s32 @!p0 $0x280, s0;
	s26 =	sor.u32 @!p0 $0x18C00, s1  }
0x38: {  	[tilespmem:s26], [sflag:$0x2] =	stream.linear.gather @!p0 [hbm4b:s5+s4], $0x80, $0x38;
	[tilespmem:$0x19200] =	vst v63  }
0x39: {  	s0 =	sadd.s32 @!p0 $0x300, s0;
	s1 =	sor.u32 @!p0 $0x18D00, s1  }
0x3a: {  	[tilespmem:s1], [sflag:$0x2] =	stream.linear.gather @!p0 [hbm4b:s0+s4], $0x80, $0x38;
	[tilespmem:$0x19200] =	vst v63  }
0x3b: {  	_ =	swait.ge [sflag:s24], $0x380  }
0x3c: {  	[sflag:s24] =	ssyncset.done $0x0  }
0x3d: {  	s26 =	sand.u32 $0x80, s30;
	[sflag:s24] =	ssyncadd.s32 $0xFFFFFC80  }
0x3e: {  	v0 =	vld [tilespmem:s26+$0x18700]  }
0x3f: {  	v1 =	vld [tilespmem:s26+$0x18710]  }
0x40: {  	v2 =	vld [tilespmem:s26+$0x18720]  }
0x41: {  	v3 =	vld [tilespmem:s26+$0x18730]  }
0x42: {  	v4 =	vld [tilespmem:s26+$0x18740]  }
0x43: {  	v5 =	vld [tilespmem:s26+$0x18750]  }
0x44: {  	v6 =	vld [tilespmem:s26+$0x18760]  }
0x45: {  	v7 =	vld [tilespmem:s26+$0x18770]  }
0x46: {  	v8 =	vld [tilespmem:s26+$0x18800]  }
0x47: {  	v9 =	vld [tilespmem:s26+$0x18810]  }
0x48: {  	v10 =	vld [tilespmem:s26+$0x18820]  }
0x49: {  	v11 =	vld [tilespmem:s26+$0x18830]  }
0x4a: {  	v12 =	vld [tilespmem:s26+$0x18840]  }
0x4b: {  	v13 =	vld [tilespmem:s26+$0x18850]  }
0x4c: {  	v14 =	vld [tilespmem:s26+$0x18860]  }
0x4d: {  	v15 =	vld [tilespmem:s26+$0x18870]  }
0x4e: {  	v16 =	vld [tilespmem:s26+$0x18900]  }
0x4f: {  	v17 =	vld [tilespmem:s26+$0x18910]  }
0x50: {  	v18 =	vld [tilespmem:s26+$0x18920]  }
0x51: {  	v19 =	vld [tilespmem:s26+$0x18930]  }
0x52: {  	v20 =	vld [tilespmem:s26+$0x18940]  }
0x53: {  	v21 =	vld [tilespmem:s26+$0x18950]  }
0x54: {  	v22 =	vld [tilespmem:s26+$0x18960]  }
0x55: {  	v23 =	vld [tilespmem:s26+$0x18970]  }
0x56: {  	v24 =	vld [tilespmem:s26+$0x18A00]  }
0x57: {  	v25 =	vld [tilespmem:s26+$0x18A10]  }
0x58: {  	v26 =	vld [tilespmem:s26+$0x18A20]  }
0x59: {  	v27 =	vld [tilespmem:s26+$0x18A30]  }
0x5a: {  	v28 =	vld [tilespmem:s26+$0x18A40]  }
0x5b: {  	v29 =	vld [tilespmem:s26+$0x18A50]  }
0x5c: {  	v30 =	vld [tilespmem:s26+$0x18A60]  }
0x5d: {  	v31 =	vld [tilespmem:s26+$0x18A70]  }
0x5e: {  	v32 =	vld [tilespmem:s26+$0x18B00]  }
0x5f: {  	v33 =	vld [tilespmem:s26+$0x18B10]  }
0x60: {  	v34 =	vld [tilespmem:s26+$0x18B20]  }
0x61: {  	v35 =	vld [tilespmem:s26+$0x18B30]  }
0x62: {  	v36 =	vld [tilespmem:s26+$0x18B40]  }
0x63: {  	v37 =	vld [tilespmem:s26+$0x18B50]  }
0x64: {  	v38 =	vld [tilespmem:s26+$0x18B60]  }
0x65: {  	v39 =	vld [tilespmem:s26+$0x18B70]  }
0x66: {  	v40 =	vld [tilespmem:s26+$0x18C00]  }
0x67: {  	v41 =	vld [tilespmem:s26+$0x18C10]  }
0x68: {  	v55 =	vld [tilespmem:s26+$0x18C20]  }
0x69: {  	v56 =	vld [tilespmem:s26+$0x18C30]  }
0x6a: {  	v57 =	vld [tilespmem:s26+$0x18C40]  }
0x6b: {  	v58 =	vld [tilespmem:s26+$0x18C50]  }
0x6c: {  	v59 =	vld [tilespmem:s26+$0x18C60]  }
0x6d: {  	v60 =	vld [tilespmem:s26+$0x18C70]  }
0x6e: {  	v61 =	vld [tilespmem:s26+$0x18D00]  }
0x6f: {  	v62 =	vld [tilespmem:s26+$0x18D10]  }
0x70: {  	v0 =	vld.idx.msk [tilespmem:v0+s2+$0x0], $0xffff  }
0x71: {  	v1 =	vld.idx.msk [tilespmem:v1+s2+$0x0], $0xffff  }
0x72: {  	v2 =	vld.idx.msk [tilespmem:v2+s2+$0x0], $0xffff  }
0x73: {  	v3 =	vld.idx.msk [tilespmem:v3+s2+$0x0], $0xffff  }
0x74: {  	v4 =	vld.idx.msk [tilespmem:v4+s2+$0x0], $0xffff  }
0x75: {  	v5 =	vld.idx.msk [tilespmem:v5+s2+$0x0], $0xffff  }
0x76: {  	v6 =	vld.idx.msk [tilespmem:v6+s2+$0x0], $0xffff  }
0x77: {  	v7 =	vld.idx.msk [tilespmem:v7+s2+$0x0], $0xffff  }
0x78: {  	v8 =	vld.idx.msk [tilespmem:v8+s2+$0x0], $0xffff  }
0x79: {  	v9 =	vld.idx.msk [tilespmem:v9+s2+$0x0], $0xffff  }
0x7a: {  	v10 =	vld.idx.msk [tilespmem:v10+s2+$0x0], $0xffff  }
0x7b: {  	v11 =	vld.idx.msk [tilespmem:v11+s2+$0x0], $0xffff  }
0x7c: {  	v12 =	vld.idx.msk [tilespmem:v12+s2+$0x0], $0xffff  }
0x7d: {  	v13 =	vld.idx.msk [tilespmem:v13+s2+$0x0], $0xffff  }
0x7e: {  	v14 =	vld.idx.msk [tilespmem:v14+s2+$0x0], $0xffff  }
0x7f: {  	v15 =	vld.idx.msk [tilespmem:v15+s2+$0x0], $0xffff  }
0x80: {  	v16 =	vld.idx.msk [tilespmem:v16+s2+$0x0], $0xffff  }
0x81: {  	v17 =	vld.idx.msk [tilespmem:v17+s2+$0x0], $0xffff  }
0x82: {  	v18 =	vld.idx.msk [tilespmem:v18+s2+$0x0], $0xffff  }
0x83: {  	v19 =	vld.idx.msk [tilespmem:v19+s2+$0x0], $0xffff  }
0x84: {  	v20 =	vld.idx.msk [tilespmem:v20+s2+$0x0], $0xffff  }
0x85: {  	v21 =	vld.idx.msk [tilespmem:v21+s2+$0x0], $0xffff  }
0x86: {  	v22 =	vld.idx.msk [tilespmem:v22+s2+$0x0], $0xffff  }
0x87: {  	v23 =	vld.idx.msk [tilespmem:v23+s2+$0x0], $0xffff  }
0x88: {  	v24 =	vld.idx.msk [tilespmem:v24+s2+$0x0], $0xffff  }
0x89: {  	v25 =	vld.idx.msk [tilespmem:v25+s2+$0x0], $0xffff  }
0x8a: {  	v26 =	vld.idx.msk [tilespmem:v26+s2+$0x0], $0xffff  }
0x8b: {  	v27 =	vld.idx.msk [tilespmem:v27+s2+$0x0], $0xffff  }
0x8c: {  	v28 =	vld.idx.msk [tilespmem:v28+s2+$0x0], $0xffff  }
0x8d: {  	v29 =	vld.idx.msk [tilespmem:v29+s2+$0x0], $0xffff  }
0x8e: {  	v30 =	vld.idx.msk [tilespmem:v30+s2+$0x0], $0xffff;
	v0 =	vadd.f32 $0.0e+00, v0;
	v1 =	vadd.f32 $0.0e+00, v1  }
0x8f: {  	v31 =	vld.idx.msk [tilespmem:v31+s2+$0x0], $0xffff;
	v2 =	vadd.f32 $0.0e+00, v2;
	v3 =	vadd.f32 $0.0e+00, v3  }
0x90: {  	v32 =	vld.idx.msk [tilespmem:v32+s2+$0x0], $0xffff;
	v0 =	vadd.f32 v4, v0;
	v1 =	vadd.f32 v5, v1  }
0x91: {  	v33 =	vld.idx.msk [tilespmem:v33+s2+$0x0], $0xffff;
	v2 =	vadd.f32 v6, v2;
	v3 =	vadd.f32 v7, v3  }
0x92: {  	v34 =	vld.idx.msk [tilespmem:v34+s2+$0x0], $0xffff;
	v0 =	vadd.f32 v8, v0;
	v1 =	vadd.f32 v9, v1  }
0x93: {  	v35 =	vld.idx.msk [tilespmem:v35+s2+$0x0], $0xffff;
	v2 =	vadd.f32 v10, v2;
	v3 =	vadd.f32 v11, v3  }
0x94: {  	v36 =	vld.idx.msk [tilespmem:v36+s2+$0x0], $0xffff;
	v0 =	vadd.f32 v12, v0;
	v1 =	vadd.f32 v13, v1  }
0x95: {  	v37 =	vld.idx.msk [tilespmem:v37+s2+$0x0], $0xffff;
	v2 =	vadd.f32 v14, v2;
	v3 =	vadd.f32 v15, v3  }
0x96: {  	v38 =	vld.idx.msk [tilespmem:v38+s2+$0x0], $0xffff;
	v0 =	vadd.f32 v16, v0;
	v1 =	vadd.f32 v17, v1  }
0x97: {  	v39 =	vld.idx.msk [tilespmem:v39+s2+$0x0], $0xffff;
	v2 =	vadd.f32 v18, v2;
	v3 =	vadd.f32 v19, v3  }
0x98: {  	v53 =	vld.idx.msk [tilespmem:v40+s2+$0x0], $0xffff;
	v0 =	vadd.f32 v20, v0;
	v1 =	vadd.f32 v21, v1  }
0x99: {  	v54 =	vld.idx.msk [tilespmem:v41+s2+$0x0], $0xffff;
	v2 =	vadd.f32 v22, v2;
	v3 =	vadd.f32 v23, v3  }
0x9a: {  	v6 =	vld.idx.msk [tilespmem:v55+s2+$0x0], $0xffff;
	v0 =	vadd.f32 v24, v0;
	v1 =	vadd.f32 v25, v1  }
0x9b: {  	v7 =	vld.idx.msk [tilespmem:v56+s2+$0x0], $0xffff;
	v2 =	vadd.f32 v26, v2;
	v3 =	vadd.f32 v27, v3  }
0x9c: {  	v8 =	vld.idx.msk [tilespmem:v57+s2+$0x0], $0xffff;
	v0 =	vadd.f32 v28, v0;
	v1 =	vadd.f32 v29, v1  }
0x9d: {  	v9 =	vld.idx.msk [tilespmem:v58+s2+$0x0], $0xffff;
	v2 =	vadd.f32 v30, v2;
	v3 =	vadd.f32 v31, v3  }
0x9e: {  	v10 =	vld.idx.msk [tilespmem:v59+s2+$0x0], $0xffff;
	v0 =	vadd.f32 v32, v0;
	v1 =	vadd.f32 v33, v1  }
0x9f: {  	v11 =	vld.idx.msk [tilespmem:v60+s2+$0x0], $0xffff;
	v2 =	vadd.f32 v34, v2;
	v3 =	vadd.f32 v35, v3  }
0xa0: {  	v12 =	vld.idx.msk [tilespmem:v61+s2+$0x0], $0xffff;
	v0 =	vadd.f32 v36, v0;
	v1 =	vadd.f32 v37, v1  }
0xa1: {  	v13 =	vld.idx.msk [tilespmem:v62+s2+$0x0], $0xffff;
	v2 =	vadd.f32 v38, v2;
	v3 =	vadd.f32 v39, v3  }
0xa2: {  	v0 =	vadd.f32 v53, v0;
	v1 =	vadd.f32 v54, v1  }
0xa3: {  	v2 =	vadd.f32 v6, v2;
	v3 =	vadd.f32 v7, v3  }
0xa4: {  	v0 =	vadd.f32 v8, v0;
	v1 =	vadd.f32 v9, v1  }
0xa5: {  	v2 =	vadd.f32 v10, v2;
	v3 =	vadd.f32 v11, v3  }
0xa6: {  	v0 =	vadd.f32 v12, v0;
	v1 =	vadd.f32 v13, v1;
	_ =	sdelay $0x1  }
0xa7: {  	s30 =	sadd.s32 $0x80, s30;
	v63 =	vadd.f32 v3, v2;
	v0 =	vadd.f32 v1, v0  }
0xa8: {  	p0 =	sne.s32 s30, $0x2000  }
.Ltmp0:
0xa9: {  	v0 =	vadd.f32 v0, v63;
	(pc) =	sbr.rel @p0 .LBB2_2-.Ltmp0, $3  }
0xaa: {  	_ = 	snop  }
0xab: {  	v0 =	vmul.f32 $1.999999960e-02, v0;
	_ =	sdelay $0x1  }
0xac: {  	s29 =	sadd.s32 $0x1, s29;
	[tilespmem:s31+$0x0] =	vst v0;
	s31 =	sadd.s32 $0x10, s31  }
0xad: {  	s29 =	simm.s32 $0x18E00;
	s0 =	rddreg [dreg:$0x5]  }
0xae: {  	[hbm4b:s0+s22] =	stream.strided.scatter [tilespmem:s29], [sflag:$0x3], $0x400, s23, s22, $0x38;
	[tilespmem:$0x19200] =	vst v63  }
0xaf: {  	_ =	swait.ge [sflag:s25], $0x400  }
0xb0: {  	[sflag:s25] =	ssyncset.done $0x0  }
0xb1: {  	s30 =	simm.s32 $0x0;
	[sflag:s25] =	ssyncadd.s32 $0xFFFFFC00  }
0xb2: {  	[tilespmem:s15], [sflag:$0x2] =	stream.linear.gather [hbm4b:s3+s30], $0x80, $0x38;
	[tilespmem:$0x19200] =	vst v63  }
0xb3: {  	_ = 	snop  }
0xb4: {  	[tilespmem:s16], [sflag:$0x2] =	stream.linear.gather [hbm4b:s9+s30], $0x80, $0x38;
	[tilespmem:$0x19200] =	vst v63  }
0xb5: {  	_ = 	snop  }
0xb6: {  	[tilespmem:s17], [sflag:$0x2] =	stream.linear.gather [hbm4b:s10+s30], $0x80, $0x38;
	[tilespmem:$0x19200] =	vst v63  }
0xb7: {  	_ = 	snop  }
0xb8: {  	[tilespmem:s18], [sflag:$0x2] =	stream.linear.gather [hbm4b:s11+s30], $0x80, $0x38;
	[tilespmem:$0x19200] =	vst v63  }
0xb9: {  	_ = 	snop  }
0xba: {  	[tilespmem:s19], [sflag:$0x2] =	stream.linear.gather [hbm4b:s12+s30], $0x80, $0x38;
	[tilespmem:$0x19200] =	vst v63  }
0xbb: {  	_ = 	snop  }
0xbc: {  	[tilespmem:s20], [sflag:$0x2] =	stream.linear.gather [hbm4b:s13+s30], $0x80, $0x38;
	[tilespmem:$0x19200] =	vst v63  }
0xbd: {  	_ = 	snop  }
0xbe: {  	[tilespmem:s21], [sflag:$0x2] =	stream.linear.gather [hbm4b:s14+s30], $0x80, $0x38;
	[tilespmem:$0x19200] =	vst v63  }
0xbf: {  	s31 =	simm.s32 $0x1  }
0xc0: {  	[tilespmem:s30], [sflag:$0x1] =	stream.strided.gather [hbm4b:s6+s22], $0x18700, s23, s22, $0x38;
	[tilespmem:$0x19200] =	vst v63  }
0xc1: {  	_ =	swait.ge [sflag:s31], $0x18700  }
0xc2: {  	[sflag:s31] =	ssyncset.done $0x0  }
0xc3: {  	[sflag:s31] =	ssyncadd.s32 $0xFFFE7900  }
.LBB2_4:
0xc4: {  	p0 =	seq.s32 s30, $0x1F80  }
0xc5: {  	s0 =	sshrl.u32 @!p0 s31, $0x3  }
0xc6: {  	s1 =	sadd.s32 @!p0 $0x80, s30;
	s0 =	smul.u32 @!p0 $0x1C00, s0  }
0xc7: {  	s4 =	sand.u32 @!p0 $0x380, s1  }
0xc8: {  	s0 =	sor.u32 @!p0 s4, s0  }
0xc9: {  	s1 =	sand.u32 @!p0 $0x80, s1;
	s0 =	sshrl.u32 @!p0 s0, $0x3  }
0xca: {  	s5 =	simm.s32 @!p0 $0x0;
	s4 =	sor.u32 @!p0 $0x18700, s1;
	s0 =	sadd.s32 @!p0 s3, s0  }
0xcb: {  	[tilespmem:s4], [sflag:$0x2] =	stream.linear.gather @!p0 [hbm4b:s0+s5], $0x80, $0x38;
	[tilespmem:$0x19200] =	vst v63  }
0xcc: {  	s26 =	sor.u32 @!p0 $0x18800, s1;
	s4 =	sadd.s32 @!p0 $0x80, s0  }
0xcd: {  	[tilespmem:s26], [sflag:$0x2] =	stream.linear.gather @!p0 [hbm4b:s4+s5], $0x80, $0x38;
	[tilespmem:$0x19200] =	vst v63  }
0xce: {  	s4 =	sadd.s32 @!p0 $0x100, s0;
	s26 =	sor.u32 @!p0 $0x18900, s1  }
0xcf: {  	[tilespmem:s26], [sflag:$0x2] =	stream.linear.gather @!p0 [hbm4b:s4+s5], $0x80, $0x38;
	[tilespmem:$0x19200] =	vst v63  }
0xd0: {  	s4 =	sadd.s32 @!p0 $0x180, s0;
	s26 =	sor.u32 @!p0 $0x18A00, s1  }
0xd1: {  	[tilespmem:s26], [sflag:$0x2] =	stream.linear.gather @!p0 [hbm4b:s4+s5], $0x80, $0x38;
	[tilespmem:$0x19200] =	vst v63  }
0xd2: {  	s4 =	sadd.s32 @!p0 $0x200, s0;
	s26 =	sor.u32 @!p0 $0x18B00, s1  }
0xd3: {  	[tilespmem:s26], [sflag:$0x2] =	stream.linear.gather @!p0 [hbm4b:s4+s5], $0x80, $0x38;
	[tilespmem:$0x19200] =	vst v63  }
0xd4: {  	s4 =	sadd.s32 @!p0 $0x280, s0;
	s26 =	sor.u32 @!p0 $0x18C00, s1  }
0xd5: {  	[tilespmem:s26], [sflag:$0x2] =	stream.linear.gather @!p0 [hbm4b:s4+s5], $0x80, $0x38;
	[tilespmem:$0x19200] =	vst v63  }
0xd6: {  	s0 =	sadd.s32 @!p0 $0x300, s0;
	s1 =	sor.u32 @!p0 $0x18D00, s1  }
0xd7: {  	[tilespmem:s1], [sflag:$0x2] =	stream.linear.gather @!p0 [hbm4b:s0+s5], $0x80, $0x38;
	[tilespmem:$0x19200] =	vst v63  }
0xd8: {  	_ =	swait.ge [sflag:s24], $0x380  }
0xd9: {  	[sflag:s24] =	ssyncset.done $0x0  }
0xda: {  	s26 =	sand.u32 $0x80, s30;
	[sflag:s24] =	ssyncadd.s32 $0xFFFFFC80  }
0xdb: {  	v0 =	vld [tilespmem:s26+$0x18700]  }
0xdc: {  	v1 =	vld [tilespmem:s26+$0x18710]  }
0xdd: {  	v2 =	vld [tilespmem:s26+$0x18720]  }
0xde: {  	v3 =	vld [tilespmem:s26+$0x18730]  }
0xdf: {  	v4 =	vld [tilespmem:s26+$0x18740]  }
0xe0: {  	v5 =	vld [tilespmem:s26+$0x18750]  }
0xe1: {  	v6 =	vld [tilespmem:s26+$0x18760]  }
0xe2: {  	v7 =	vld [tilespmem:s26+$0x18770]  }
0xe3: {  	v8 =	vld [tilespmem:s26+$0x18800]  }
0xe4: {  	v9 =	vld [tilespmem:s26+$0x18810]  }
0xe5: {  	v10 =	vld [tilespmem:s26+$0x18820]  }
0xe6: {  	v11 =	vld [tilespmem:s26+$0x18830]  }
0xe7: {  	v12 =	vld [tilespmem:s26+$0x18840]  }
0xe8: {  	v13 =	vld [tilespmem:s26+$0x18850]  }
0xe9: {  	v14 =	vld [tilespmem:s26+$0x18860]  }
0xea: {  	v15 =	vld [tilespmem:s26+$0x18870]  }
0xeb: {  	v16 =	vld [tilespmem:s26+$0x18900]  }
0xec: {  	v17 =	vld [tilespmem:s26+$0x18910]  }
0xed: {  	v18 =	vld [tilespmem:s26+$0x18920]  }
0xee: {  	v19 =	vld [tilespmem:s26+$0x18930]  }
0xef: {  	v20 =	vld [tilespmem:s26+$0x18940]  }
0xf0: {  	v21 =	vld [tilespmem:s26+$0x18950]  }
0xf1: {  	v22 =	vld [tilespmem:s26+$0x18960]  }
0xf2: {  	v23 =	vld [tilespmem:s26+$0x18970]  }
0xf3: {  	v24 =	vld [tilespmem:s26+$0x18A00]  }
0xf4: {  	v25 =	vld [tilespmem:s26+$0x18A10]  }
0xf5: {  	v26 =	vld [tilespmem:s26+$0x18A20]  }
0xf6: {  	v27 =	vld [tilespmem:s26+$0x18A30]  }
0xf7: {  	v28 =	vld [tilespmem:s26+$0x18A40]  }
0xf8: {  	v29 =	vld [tilespmem:s26+$0x18A50]  }
0xf9: {  	v30 =	vld [tilespmem:s26+$0x18A60]  }
0xfa: {  	v31 =	vld [tilespmem:s26+$0x18A70]  }
0xfb: {  	v32 =	vld [tilespmem:s26+$0x18B00]  }
0xfc: {  	v33 =	vld [tilespmem:s26+$0x18B10]  }
0xfd: {  	v34 =	vld [tilespmem:s26+$0x18B20]  }
0xfe: {  	v35 =	vld [tilespmem:s26+$0x18B30]  }
0xff: {  	v36 =	vld [tilespmem:s26+$0x18B40]  }
0x100: {  	v37 =	vld [tilespmem:s26+$0x18B50]  }
0x101: {  	v38 =	vld [tilespmem:s26+$0x18B60]  }
0x102: {  	v39 =	vld [tilespmem:s26+$0x18B70]  }
0x103: {  	v40 =	vld [tilespmem:s26+$0x18C00]  }
0x104: {  	v41 =	vld [tilespmem:s26+$0x18C10]  }
0x105: {  	v55 =	vld [tilespmem:s26+$0x18C20]  }
0x106: {  	v56 =	vld [tilespmem:s26+$0x18C30]  }
0x107: {  	v57 =	vld [tilespmem:s26+$0x18C40]  }
0x108: {  	v58 =	vld [tilespmem:s26+$0x18C50]  }
0x109: {  	v59 =	vld [tilespmem:s26+$0x18C60]  }
0x10a: {  	v60 =	vld [tilespmem:s26+$0x18C70]  }
0x10b: {  	v61 =	vld [tilespmem:s26+$0x18D00]  }
0x10c: {  	v62 =	vld [tilespmem:s26+$0x18D10]  }
0x10d: {  	v0 =	vld.idx.msk [tilespmem:v0+s2+$0x0], $0xffff  }
0x10e: {  	v1 =	vld.idx.msk [tilespmem:v1+s2+$0x0], $0xffff  }
0x10f: {  	v2 =	vld.idx.msk [tilespmem:v2+s2+$0x0], $0xffff  }
0x110: {  	v3 =	vld.idx.msk [tilespmem:v3+s2+$0x0], $0xffff  }
0x111: {  	v4 =	vld.idx.msk [tilespmem:v4+s2+$0x0], $0xffff  }
0x112: {  	v5 =	vld.idx.msk [tilespmem:v5+s2+$0x0], $0xffff  }
0x113: {  	v6 =	vld.idx.msk [tilespmem:v6+s2+$0x0], $0xffff  }
0x114: {  	v7 =	vld.idx.msk [tilespmem:v7+s2+$0x0], $0xffff  }
0x115: {  	v8 =	vld.idx.msk [tilespmem:v8+s2+$0x0], $0xffff  }
0x116: {  	v9 =	vld.idx.msk [tilespmem:v9+s2+$0x0], $0xffff  }
0x117: {  	v10 =	vld.idx.msk [tilespmem:v10+s2+$0x0], $0xffff  }
0x118: {  	v11 =	vld.idx.msk [tilespmem:v11+s2+$0x0], $0xffff  }
0x119: {  	v12 =	vld.idx.msk [tilespmem:v12+s2+$0x0], $0xffff  }
0x11a: {  	v13 =	vld.idx.msk [tilespmem:v13+s2+$0x0], $0xffff  }
0x11b: {  	v14 =	vld.idx.msk [tilespmem:v14+s2+$0x0], $0xffff  }
0x11c: {  	v15 =	vld.idx.msk [tilespmem:v15+s2+$0x0], $0xffff  }
0x11d: {  	v16 =	vld.idx.msk [tilespmem:v16+s2+$0x0], $0xffff  }
0x11e: {  	v17 =	vld.idx.msk [tilespmem:v17+s2+$0x0], $0xffff  }
0x11f: {  	v18 =	vld.idx.msk [tilespmem:v18+s2+$0x0], $0xffff  }
0x120: {  	v19 =	vld.idx.msk [tilespmem:v19+s2+$0x0], $0xffff  }
0x121: {  	v20 =	vld.idx.msk [tilespmem:v20+s2+$0x0], $0xffff  }
0x122: {  	v21 =	vld.idx.msk [tilespmem:v21+s2+$0x0], $0xffff  }
0x123: {  	v22 =	vld.idx.msk [tilespmem:v22+s2+$0x0], $0xffff  }
0x124: {  	v23 =	vld.idx.msk [tilespmem:v23+s2+$0x0], $0xffff  }
0x125: {  	v24 =	vld.idx.msk [tilespmem:v24+s2+$0x0], $0xffff  }
0x126: {  	v25 =	vld.idx.msk [tilespmem:v25+s2+$0x0], $0xffff  }
0x127: {  	v26 =	vld.idx.msk [tilespmem:v26+s2+$0x0], $0xffff  }
0x128: {  	v27 =	vld.idx.msk [tilespmem:v27+s2+$0x0], $0xffff  }
0x129: {  	v28 =	vld.idx.msk [tilespmem:v28+s2+$0x0], $0xffff  }
0x12a: {  	v29 =	vld.idx.msk [tilespmem:v29+s2+$0x0], $0xffff  }
0x12b: {  	v30 =	vld.idx.msk [tilespmem:v30+s2+$0x0], $0xffff;
	v0 =	vadd.f32 $0.0e+00, v0;
	v1 =	vadd.f32 $0.0e+00, v1  }
0x12c: {  	v31 =	vld.idx.msk [tilespmem:v31+s2+$0x0], $0xffff;
	v2 =	vadd.f32 $0.0e+00, v2;
	v3 =	vadd.f32 $0.0e+00, v3  }
0x12d: {  	v32 =	vld.idx.msk [tilespmem:v32+s2+$0x0], $0xffff;
	v0 =	vadd.f32 v4, v0;
	v1 =	vadd.f32 v5, v1  }
0x12e: {  	v33 =	vld.idx.msk [tilespmem:v33+s2+$0x0], $0xffff;
	v2 =	vadd.f32 v6, v2;
	v3 =	vadd.f32 v7, v3  }
0x12f: {  	v34 =	vld.idx.msk [tilespmem:v34+s2+$0x0], $0xffff;
	v0 =	vadd.f32 v8, v0;
	v1 =	vadd.f32 v9, v1  }
0x130: {  	v35 =	vld.idx.msk [tilespmem:v35+s2+$0x0], $0xffff;
	v2 =	vadd.f32 v10, v2;
	v3 =	vadd.f32 v11, v3  }
0x131: {  	v36 =	vld.idx.msk [tilespmem:v36+s2+$0x0], $0xffff;
	v0 =	vadd.f32 v12, v0;
	v1 =	vadd.f32 v13, v1  }
0x132: {  	v37 =	vld.idx.msk [tilespmem:v37+s2+$0x0], $0xffff;
	v2 =	vadd.f32 v14, v2;
	v3 =	vadd.f32 v15, v3  }
0x133: {  	v38 =	vld.idx.msk [tilespmem:v38+s2+$0x0], $0xffff;
	v0 =	vadd.f32 v16, v0;
	v1 =	vadd.f32 v17, v1  }
0x134: {  	v39 =	vld.idx.msk [tilespmem:v39+s2+$0x0], $0xffff;
	v2 =	vadd.f32 v18, v2;
	v3 =	vadd.f32 v19, v3  }
0x135: {  	v53 =	vld.idx.msk [tilespmem:v40+s2+$0x0], $0xffff;
	v0 =	vadd.f32 v20, v0;
	v1 =	vadd.f32 v21, v1  }
0x136: {  	v54 =	vld.idx.msk [tilespmem:v41+s2+$0x0], $0xffff;
	v2 =	vadd.f32 v22, v2;
	v3 =	vadd.f32 v23, v3  }
0x137: {  	v6 =	vld.idx.msk [tilespmem:v55+s2+$0x0], $0xffff;
	v0 =	vadd.f32 v24, v0;
	v1 =	vadd.f32 v25, v1  }
0x138: {  	v7 =	vld.idx.msk [tilespmem:v56+s2+$0x0], $0xffff;
	v2 =	vadd.f32 v26, v2;
	v3 =	vadd.f32 v27, v3  }
0x139: {  	v8 =	vld.idx.msk [tilespmem:v57+s2+$0x0], $0xffff;
	v0 =	vadd.f32 v28, v0;
	v1 =	vadd.f32 v29, v1  }
0x13a: {  	v9 =	vld.idx.msk [tilespmem:v58+s2+$0x0], $0xffff;
	v2 =	vadd.f32 v30, v2;
	v3 =	vadd.f32 v31, v3  }
0x13b: {  	v10 =	vld.idx.msk [tilespmem:v59+s2+$0x0], $0xffff;
	v0 =	vadd.f32 v32, v0;
	v1 =	vadd.f32 v33, v1  }
0x13c: {  	v11 =	vld.idx.msk [tilespmem:v60+s2+$0x0], $0xffff;
	v2 =	vadd.f32 v34, v2;
	v3 =	vadd.f32 v35, v3  }
0x13d: {  	v12 =	vld.idx.msk [tilespmem:v61+s2+$0x0], $0xffff;
	v0 =	vadd.f32 v36, v0;
	v1 =	vadd.f32 v37, v1  }
0x13e: {  	v13 =	vld.idx.msk [tilespmem:v62+s2+$0x0], $0xffff;
	v2 =	vadd.f32 v38, v2;
	v3 =	vadd.f32 v39, v3  }
0x13f: {  	v0 =	vadd.f32 v53, v0;
	v1 =	vadd.f32 v54, v1  }
0x140: {  	v2 =	vadd.f32 v6, v2;
	v3 =	vadd.f32 v7, v3  }
0x141: {  	v0 =	vadd.f32 v8, v0;
	v1 =	vadd.f32 v9, v1  }
0x142: {  	v2 =	vadd.f32 v10, v2;
	v3 =	vadd.f32 v11, v3  }
0x143: {  	v0 =	vadd.f32 v12, v0;
	v1 =	vadd.f32 v13, v1;
	_ =	sdelay $0x1  }
0x144: {  	s30 =	sadd.s32 $0x80, s30;
	v63 =	vadd.f32 v3, v2;
	v0 =	vadd.f32 v1, v0  }
0x145: {  	p0 =	sne.s32 s30, $0x2000  }
.Ltmp1:
0x146: {  	v0 =	vadd.f32 v0, v63;
	(pc) =	sbr.rel @p0 .LBB2_4-.Ltmp1, $3  }
0x147: {  	_ = 	snop  }
0x148: {  	v0 =	vmul.f32 $1.999999960e-02, v0;
	_ =	sdelay $0x1  }
0x149: {  	s31 =	sadd.s32 $0x1, s31;
	[tilespmem:s29+$0x0] =	vst v0;
	s29 =	sadd.s32 $0x10, s29  }
0x14a: {  	s28 =	sadd.s32 $0x1, s28  }
0x14b: {  	p0 =	sne.s32 s28, s8  }
.Ltmp2:
0x14c: {  	s0 =	simm.s32 $0x18E00;
	(pc) =	sbr.rel @p0 .LBB2_1-.Ltmp2, $4  }
0x14d: {  	[hbm4b:s7+s22] =	stream.strided.scatter [tilespmem:s0], [sflag:$0x3], $0x400, s23, s22, $0x38;
	[tilespmem:$0x19200] =	vst v63  }
0x14e: {  	_ =	swait.ge [sflag:s25], $0x400  }
0x14f: {  	[sflag:s25] =	ssyncset.done $0x0  }
0x150: {  	[sflag:s25] =	ssyncadd.s32 $0xFFFFFC00  }
0x151: {  	_ =	sfence.sel $0x180000  }
0x152: {  	[bflag:$0x0] =	sbarrier.arrive $0xFFFF  }
0x153: {  	_ =	strace $0x90000047  }
0x154: {  	s0 =	stileid.u32;
	[bflag:$0x2] =	sbarrier.arrive $0xFFFF  }
0x155: {  	p0 =	sne.s32 s0, $0x0;
	s0 =	rddreg [dreg:$0x3]  }
0x156: {  	s0 =	sadd.s32 @!p0 $0x100000, s0  }
0x157: {  	[sflag:s0] =	ssyncadd.tile.s32 @!p0 $0x1;
	_ =	shalt  }
.Lfunc_end2:
_tile_overlayer_lowered:
.L_overlay_start_2:
0x158: {  	(tag) =	ssettag $0x2  }
0x159: {  	s0 =	rddreg [dreg:$0x0];
	s2 =	stileid.u32  }
0x15a: {  	s1 =	rddreg [dreg:$0x1];
	p0 =	sne.s32 s2, $0x0  }
0x15b: {  	s3 =	rddreg [dreg:$0x2];
	[bflag:$0x3] =	sbarrier.arrive $0xFFFF;
	s2 =	simm.s32 @!p0 $0x1C03  }
0x15c: {  	[timem:s3], [sflag:s2] =	dma.local @!p0 [hbm:s0], s1  }
0x15d: {  	s0 =	simm.s32 @!p0 $0x3  }
0x15e: {  	_ =	swait.ge @!p0 [sflag:s0], s1  }
0x15f: {  	s1 =	ssub.s32 @!p0 $0x0, s1;
	[sflag:s0] =	ssyncset.done @!p0 $0x0  }
0x160: {  	[sflag:s0] =	ssyncadd.s32 @!p0 s1  }
0x161: {  	[bflag:$0x3] =	sbarrier.arrive $0xFFFF  }
0x162: {  	_ =	shalt  }

</sc_bundles>
